<compile_context>
chip_gen: v7x
topology: tpu7x:2x2x1
jax: 0.10.2.dev20260603
libtpu: 0.0.44.dev20260713+nightly
codegen_flags: <defaults>
</compile_context>

<pallas_src>
import functools

import jax
import jax.numpy as jnp
from jax import lax
from jax.experimental import pallas as pl
from jax.experimental.pallas import tpu as pltpu
from jax.experimental.pallas import tpu_sc as plsc

_NC = 2
_NS = 16
_EW = 25
_TC_LANES = 115200
_SC_LANES = 320000 - _TC_LANES
_W_LANES = _SC_LANES // _EW
_E_CH = 1024
_L = 16
_GRID = 10


def _edge_chunk_sum(buf, accs):
    def body(k, carry):
        out = list(carry)
        col = pl.multiple_of(k * _L, _L)
        for r in range(_L):
            out[r] = out[r] + buf[r, pl.ds(col, _L)]
        return tuple(out)
    return lax.fori_loop(0, _E_CH // _L, body, accs)


def _sc_body(edge_ref, oute_ref, ebuf0, ebuf1, stage_e, sem0, sem1):
    cid = lax.axis_index("c")
    sid = lax.axis_index("s")
    wid = sid * _NC + cid

    @pl.when(wid < _EW)
    def _edge():
        base = _TC_LANES + wid * _W_LANES
        n_chunks = _W_LANES // _E_CH
        bufs = (ebuf0, ebuf1)
        sems = (sem0, sem1)
        copies = [None, None]
        copies[0] = pltpu.async_copy(
            edge_ref.at[:, pl.ds(base, _E_CH)], ebuf0, sem0)
        accs = tuple(jnp.zeros((_L,), jnp.float32) for _ in range(_L))
        for c in range(n_chunks):
            cur = c % 2
            nxt = 1 - cur
            if c + 1 < n_chunks:
                copies[nxt] = pltpu.async_copy(
                    edge_ref.at[:, pl.ds(base + (c + 1) * _E_CH, _E_CH)],
                    bufs[nxt], sems[nxt])
            copies[cur].wait()
            accs = _edge_chunk_sum(bufs[cur], accs)
        ids = lax.iota(jnp.int32, _L)
        v = jnp.zeros((_L,), jnp.float32)
        for r in range(_L):
            v = jnp.where(ids == r, jnp.sum(accs[r]), v)
        stage_e[...] = v
        pltpu.sync_copy(stage_e, oute_ref.at[pl.ds(wid * _L, _L)])


def _sc_edge_partials(et):
    mesh = plsc.VectorSubcoreMesh(core_axis_name="c", subcore_axis_name="s")
    f = pl.kernel(
        _sc_body,
        out_type=jax.ShapeDtypeStruct((_EW * _L,), jnp.float32),
        mesh=mesh,
        scratch_types=[
            pltpu.VMEM((_L, _E_CH), jnp.float32),
            pltpu.VMEM((_L, _E_CH), jnp.float32),
            pltpu.VMEM((_L,), jnp.float32),
            pltpu.SemaphoreType.DMA,
            pltpu.SemaphoreType.DMA,
        ],
        compiler_params=pltpu.CompilerParams(needs_layout_passes=False),
    )
    return f(et)


def _tc_partial_body(a_ref, b_ref, o1_ref, o2_ref, acc_e, acc_n,
                     *, grid, d_edge):
    i = pl.program_id(0)
    blk = a_ref.shape[1]
    ea = a_ref[...].reshape(d_edge, blk // 128, 128).sum(axis=1)
    na = jnp.sum(b_ref[...], axis=0, keepdims=True)

    @pl.when(i == 0)
    def _init():
        acc_e[...] = ea
        acc_n[0:1, :] = na

    @pl.when(i > 0)
    def _acc():
        acc_e[...] = acc_e[...] + ea
        acc_n[0:1, :] = acc_n[0:1, :] + na

    @pl.when(i == grid - 1)
    def _fin():
        o1_ref[...] = acc_e[...]
        o2_ref[...] = acc_n[...]


def _combine_body(pe_ref, o1_ref, o2_ref, g_ref, w1_ref, b1_ref, w2_ref,
                  b2_ref, o_ref, *, inv_e, inv_n, d_edge, d_global):
    e_sc = pe_ref[...].reshape(1, _EW, d_edge).sum(axis=1) * inv_e
    s_tc = jnp.sum(o1_ref[...], axis=1, keepdims=True) * inv_e
    nmean = o2_ref[0:1, :] * inv_n
    wg = w1_ref[:d_global, :]
    we = w1_ref[d_global:d_global + d_edge, :]
    wn = w1_ref[d_global + d_edge:, :]
    e_pre = e_sc @ we + lax.dot_general(s_tc, we, (((0,), (0,)), ((), ())))
    pre = g_ref[...] @ wg + e_pre + nmean @ wn + b1_ref[...][None, :]
    h = jnp.maximum(pre, 0.0)
    o_ref[...] = h @ w2_ref[...] + b2_ref[...][None, :]


def kernel(node_attr, edge_index, edge_attr, global_attr, W1, b1, W2, b2):
    del edge_index
    n_edges, d_edge = edge_attr.shape
    n_nodes, d_feat = node_attr.shape
    d_global = global_attr.shape[1]
    in_features, latent = W1.shape
    out_features = W2.shape[1]

    et = edge_attr.T

    pe = _sc_edge_partials(et).reshape(1, _EW * d_edge)

    grid = _GRID
    blk_a = _TC_LANES // grid
    blk_b = n_nodes // grid
    tc_body = functools.partial(_tc_partial_body, grid=grid, d_edge=d_edge)
    o1, o2 = pl.pallas_call(
        tc_body,
        grid=(grid,),
        in_specs=[
            pl.BlockSpec((d_edge, blk_a), lambda i: (0, i)),
            pl.BlockSpec((blk_b, d_feat), lambda i: (i, 0)),
        ],
        out_specs=[
            pl.BlockSpec((d_edge, 128), lambda i: (0, 0)),
            pl.BlockSpec((8, d_feat), lambda i: (0, 0)),
        ],
        out_shape=[
            jax.ShapeDtypeStruct((d_edge, 128), jnp.float32),
            jax.ShapeDtypeStruct((8, d_feat), jnp.float32),
        ],
        scratch_shapes=[pltpu.VMEM((d_edge, 128), jnp.float32),
                        pltpu.VMEM((8, d_feat), jnp.float32)],
    )(et, node_attr)

    comb_body = functools.partial(_combine_body, inv_e=1.0 / n_edges,
                                  inv_n=1.0 / n_nodes, d_edge=d_edge,
                                  d_global=d_global)
    out = pl.pallas_call(
        comb_body,
        grid=(1,),
        in_specs=[
            pl.BlockSpec((1, _EW * d_edge), lambda i: (0, 0)),
            pl.BlockSpec((d_edge, 128), lambda i: (0, 0)),
            pl.BlockSpec((8, d_feat), lambda i: (0, 0)),
            pl.BlockSpec((1, d_global), lambda i: (0, 0)),
            pl.BlockSpec((in_features, latent), lambda i: (0, 0)),
            pl.BlockSpec((latent,), lambda i: (0,)),
            pl.BlockSpec((latent, out_features), lambda i: (0, 0)),
            pl.BlockSpec((out_features,), lambda i: (0,)),
        ],
        out_specs=pl.BlockSpec((1, out_features), lambda i: (0, 0)),
        out_shape=jax.ShapeDtypeStruct((1, out_features), jnp.float32),
    )(pe, o1, o2, global_attr, W1, b1, W2, b2)
    return out

# --- scband reference (transcript-rebuilt; emitter-appended) ---
"""Pipeline reference for scband-global-block-17729624998200 (READ-ONLY COPY).

The authoritative reference and input builder live on the scoring server;
editing this copy changes nothing except your own understanding.
"""

import jax, jax.numpy as jnp
import numpy as np

N_NODES = 10000
N_EDGES = 320000
D_FEAT = 128
D_EDGE = 16
D_GLOBAL = 128
LATENT = 32
IN_FEATURES = D_GLOBAL + D_EDGE + D_FEAT
OUT_FEATURES = 128


def _segment_mean(data, seg_ids, num_segments):
    sums = jax.ops.segment_sum(data, seg_ids, num_segments=num_segments)
    counts = jax.ops.segment_sum(jnp.ones((data.shape[0],), dtype=data.dtype), seg_ids, num_segments=num_segments)
    return sums / jnp.maximum(counts, 1.0)[:, None]


def setup_inputs(seed: int = 0) -> dict:
    key = jax.random.key(seed)
    k1, k2, k3, k4, k5, k6, k7, k8 = jax.random.split(key, 8)
    node_attr = jax.random.normal(k1, (N_NODES, D_FEAT), dtype=jnp.float32)
    edge_index = jax.random.randint(k2, (2, N_EDGES), 0, N_NODES).astype(jnp.int64)
    edge_attr = jax.random.normal(k3, (N_EDGES, D_EDGE), dtype=jnp.float32)
    global_attr = jax.random.normal(k4, (1, D_GLOBAL), dtype=jnp.float32)
    s1 = 1.0 / np.sqrt(IN_FEATURES)
    s2 = 1.0 / np.sqrt(LATENT)
    W1 = jax.random.uniform(k5, (IN_FEATURES, LATENT), dtype=jnp.float32, minval=-s1, maxval=s1)
    b1 = jax.random.uniform(k6, (LATENT,), dtype=jnp.float32, minval=-s1, maxval=s1)
    W2 = jax.random.uniform(k7, (LATENT, OUT_FEATURES), dtype=jnp.float32, minval=-s2, maxval=s2)
    b2 = jax.random.uniform(k8, (OUT_FEATURES,), dtype=jnp.float32, minval=-s2, maxval=s2)
    return {"node_attr": node_attr, "edge_index": edge_index, "edge_attr": edge_attr,
            "global_attr": global_attr, "W1": W1, "b1": b1, "W2": W2, "b2": b2}


def reference(node_attr, edge_index, edge_attr, global_attr, W1, b1, W2, b2):
    num_edges = edge_attr.shape[0]
    num_nodes = node_attr.shape[0]
    # GlobalBlock: scatter_mean with all-zero index == mean over dim 0 (segment 0)
    edge_seg = jnp.zeros((num_edges,), dtype=jnp.int32)
    node_seg = jnp.zeros((num_nodes,), dtype=jnp.int32)
    agg_edges = _segment_mean(edge_attr, edge_seg, 1)   # [1, D_EDGE]
    agg_nodes = _segment_mean(node_attr, node_seg, 1)   # [1, D_FEAT]
    collected = jnp.concatenate([global_attr, agg_edges, agg_nodes], axis=-1)  # [1, IN_FEATURES]
    h = jnp.maximum(collected @ W1 + b1, 0.0)
    new_global = h @ W2 + b2  # [1, OUT_FEATURES]
    return new_global

if __name__ == "__main__":
    import jax
    _d = setup_inputs()
    print(jax.jit(kernel)(*tuple(_d.values())))

</pallas_src>

<mosaic_0001>
#map = affine_map<(d0, d1) -> (0, 0)>
#map1 = affine_map<(d0, d1) -> (0)>
module attributes {stable_mosaic.version = 14 : i64} {
  func.func @_sc_body(%arg0: i32, %arg1: i32, %arg2: memref<16x320000xf32, #tpu.memory_space<hbm>>, %arg3: memref<400xf32, #tpu.memory_space<hbm>>, %arg4: memref<16x1024xf32, #tpu.memory_space<vmem>>, %arg5: memref<16x1024xf32, #tpu.memory_space<vmem>>, %arg6: memref<16xf32, #tpu.memory_space<vmem>>, %arg7: memref<!tpu.dma_semaphore, #tpu.memory_space<semaphore_mem>>, %arg8: memref<!tpu.dma_semaphore, #tpu.memory_space<semaphore_mem>>) attributes {dimension_semantics = [#tpu.dimension_semantics<core_parallel>, #tpu.dimension_semantics<subcore_parallel>], iteration_bounds = array<i64: 2, 16>, scalar_prefetch = 0 : i64, scratch_operands = 5 : i64, tpu.core_type = #tpu.core_type<sc_vector_subcore>, window_params = [{transform_indices = #map}, {transform_indices = #map1}]} {
    %mul3A = arith.constant 2 : i32
    %mul3A_0 = arith.muli %arg1, %mul3A : i32
    %add3A = arith.addi %mul3A_0, %arg0 : i32
    %lt3A = arith.constant 25 : i32
    %lt3A_1 = arith.cmpi slt, %add3A, %lt3A : i32
    %convert_element_type3A = arith.extui %lt3A_1 : i1 to i32
    %cond3A = arith.constant 0 : i32
    %cond3A_2 = arith.cmpi ne, %convert_element_type3A, %cond3A : i32
    scf.if %cond3A_2 {
      %mul3A_3 = arith.constant 8192 : i32
      %mul3A_4 = arith.muli %add3A, %mul3A_3 : i32
      %add3A_5 = arith.constant 115200 : i32
      %add3A_6 = arith.addi %add3A_5, %mul3A_4 : i32
      %dma_start3A = arith.constant 0 : i32
      %dma_start3A_7 = tpu.memref_slice %arg2[%dma_start3A, %add3A_6] : memref<16x320000xf32, #tpu.memory_space<hbm>> -> memref<16x1024xf32, #tpu.memory_space<hbm>>
      %dma_start3A_8 = arith.constant 0 : i32
      %dma_start3A_9 = tpu.memref_slice %arg2[%dma_start3A_8, %add3A_6] : memref<16x320000xf32, #tpu.memory_space<hbm>> -> memref<16x1024xf32, #tpu.memory_space<hbm>>
      tpu.enqueue_dma source(%dma_start3A_9 : memref<16x1024xf32, #tpu.memory_space<hbm>>) target(%arg4 : memref<16x1024xf32, #tpu.memory_space<vmem>>) target_semaphore(%arg7 : memref<!tpu.dma_semaphore, #tpu.memory_space<semaphore_mem>>)
      %broadcast_in_dim3A = arith.constant 0.000000e+00 : f32
      %broadcast_in_dim3A_10 = vector.broadcast %broadcast_in_dim3A : f32 to vector<16xf32>
      %broadcast_in_dim3A_11 = arith.constant 0.000000e+00 : f32
      %broadcast_in_dim3A_12 = vector.broadcast %broadcast_in_dim3A_11 : f32 to vector<16xf32>
      %broadcast_in_dim3A_13 = arith.constant 0.000000e+00 : f32
      %broadcast_in_dim3A_14 = vector.broadcast %broadcast_in_dim3A_13 : f32 to vector<16xf32>
      %broadcast_in_dim3A_15 = arith.constant 0.000000e+00 : f32
      %broadcast_in_dim3A_16 = vector.broadcast %broadcast_in_dim3A_15 : f32 to vector<16xf32>
      %broadcast_in_dim3A_17 = arith.constant 0.000000e+00 : f32
      %broadcast_in_dim3A_18 = vector.broadcast %broadcast_in_dim3A_17 : f32 to vector<16xf32>
      %broadcast_in_dim3A_19 = arith.constant 0.000000e+00 : f32
      %broadcast_in_dim3A_20 = vector.broadcast %broadcast_in_dim3A_19 : f32 to vector<16xf32>
      %broadcast_in_dim3A_21 = arith.constant 0.000000e+00 : f32
      %broadcast_in_dim3A_22 = vector.broadcast %broadcast_in_dim3A_21 : f32 to vector<16xf32>
      %broadcast_in_dim3A_23 = arith.constant 0.000000e+00 : f32
      %broadcast_in_dim3A_24 = vector.broadcast %broadcast_in_dim3A_23 : f32 to vector<16xf32>
      %broadcast_in_dim3A_25 = arith.constant 0.000000e+00 : f32
      %broadcast_in_dim3A_26 = vector.broadcast %broadcast_in_dim3A_25 : f32 to vector<16xf32>
      %broadcast_in_dim3A_27 = arith.constant 0.000000e+00 : f32
      %broadcast_in_dim3A_28 = vector.broadcast %broadcast_in_dim3A_27 : f32 to vector<16xf32>
      %broadcast_in_dim3A_29 = arith.constant 0.000000e+00 : f32
      %broadcast_in_dim3A_30 = vector.broadcast %broadcast_in_dim3A_29 : f32 to vector<16xf32>
      %broadcast_in_dim3A_31 = arith.constant 0.000000e+00 : f32
      %broadcast_in_dim3A_32 = vector.broadcast %broadcast_in_dim3A_31 : f32 to vector<16xf32>
      %broadcast_in_dim3A_33 = arith.constant 0.000000e+00 : f32
      %broadcast_in_dim3A_34 = vector.broadcast %broadcast_in_dim3A_33 : f32 to vector<16xf32>
      %broadcast_in_dim3A_35 = arith.constant 0.000000e+00 : f32
      %broadcast_in_dim3A_36 = vector.broadcast %broadcast_in_dim3A_35 : f32 to vector<16xf32>
      %broadcast_in_dim3A_37 = arith.constant 0.000000e+00 : f32
      %broadcast_in_dim3A_38 = vector.broadcast %broadcast_in_dim3A_37 : f32 to vector<16xf32>
      %broadcast_in_dim3A_39 = arith.constant 0.000000e+00 : f32
      %broadcast_in_dim3A_40 = vector.broadcast %broadcast_in_dim3A_39 : f32 to vector<16xf32>
      %add3A_41 = arith.constant 1024 : i32
      %add3A_42 = arith.addi %add3A_6, %add3A_41 : i32
      %dma_start3A_43 = arith.constant 0 : i32
      %dma_start3A_44 = tpu.memref_slice %arg2[%dma_start3A_43, %add3A_42] : memref<16x320000xf32, #tpu.memory_space<hbm>> -> memref<16x1024xf32, #tpu.memory_space<hbm>>
      %dma_start3A_45 = arith.constant 0 : i32
      %dma_start3A_46 = tpu.memref_slice %arg2[%dma_start3A_45, %add3A_42] : memref<16x320000xf32, #tpu.memory_space<hbm>> -> memref<16x1024xf32, #tpu.memory_space<hbm>>
      tpu.enqueue_dma source(%dma_start3A_46 : memref<16x1024xf32, #tpu.memory_space<hbm>>) target(%arg5 : memref<16x1024xf32, #tpu.memory_space<vmem>>) target_semaphore(%arg8 : memref<!tpu.dma_semaphore, #tpu.memory_space<semaphore_mem>>)
      %dma_wait3A = arith.constant 0 : i32
      %dma_wait3A_47 = tpu.memref_slice %arg2[%dma_wait3A, %add3A_6] : memref<16x320000xf32, #tpu.memory_space<hbm>> -> memref<16x1024xf32, #tpu.memory_space<hbm>>
      %dma_wait3A_48 = arith.constant 0 : i32
      %dma_wait3A_49 = tpu.memref_slice %arg2[%dma_wait3A_48, %add3A_6] : memref<16x320000xf32, #tpu.memory_space<hbm>> -> memref<16x1024xf32, #tpu.memory_space<hbm>>
      tpu.wait_dma2 semaphore(%arg7 : memref<!tpu.dma_semaphore, #tpu.memory_space<semaphore_mem>>) src(%dma_wait3A_49 : memref<16x1024xf32, #tpu.memory_space<hbm>>) dst(%arg4 : memref<16x1024xf32, #tpu.memory_space<vmem>>)
      %scan3A = arith.constant 0 : i32
      %scan3A_50 = arith.constant 64 : i32
      %scan3A_51 = arith.addi %scan3A, %scan3A_50 : i32
      %scan3A_52 = arith.constant 1 : i32
      %scan3A_53:16 = scf.for %scan3A_307 = %scan3A to %scan3A_51 step %scan3A_52 iter_args(%scan3A_308 = %broadcast_in_dim3A_10, %scan3A_309 = %broadcast_in_dim3A_12, %scan3A_310 = %broadcast_in_dim3A_14, %scan3A_311 = %broadcast_in_dim3A_16, %scan3A_312 = %broadcast_in_dim3A_18, %scan3A_313 = %broadcast_in_dim3A_20, %scan3A_314 = %broadcast_in_dim3A_22, %scan3A_315 = %broadcast_in_dim3A_24, %scan3A_316 = %broadcast_in_dim3A_26, %scan3A_317 = %broadcast_in_dim3A_28, %scan3A_318 = %broadcast_in_dim3A_30, %scan3A_319 = %broadcast_in_dim3A_32, %scan3A_320 = %broadcast_in_dim3A_34, %scan3A_321 = %broadcast_in_dim3A_36, %scan3A_322 = %broadcast_in_dim3A_38, %scan3A_323 = %broadcast_in_dim3A_40) -> (vector<16xf32>, vector<16xf32>, vector<16xf32>, vector<16xf32>, vector<16xf32>, vector<16xf32>, vector<16xf32>, vector<16xf32>, vector<16xf32>, vector<16xf32>, vector<16xf32>, vector<16xf32>, vector<16xf32>, vector<16xf32>, vector<16xf32>, vector<16xf32>)  : i32 {
        %mul3A_324 = arith.constant 16 : i32
        %mul3A_325 = arith.muli %scan3A_307, %mul3A_324 : i32
        %multiple_of3A = tpu.assume_multiple %mul3A_325, 16 : i32
        %get3A = arith.constant 0 : i32
        %get3A_326 = arith.index_cast %get3A : i32 to index
        %get3A_327 = arith.index_cast %multiple_of3A : i32 to index
        %get3A_328 = tpu.vector_load %arg4[%get3A_326, %get3A_327] {strides = array<i32>} : memref<16x1024xf32, #tpu.memory_space<vmem>>, vector<16xf32>,
        %add3A_329 = arith.addf %scan3A_308, %get3A_328 : vector<16xf32>
        %get3A_330 = arith.constant 1 : i32
        %get3A_331 = arith.index_cast %get3A_330 : i32 to index
        %get3A_332 = arith.index_cast %multiple_of3A : i32 to index
        %get3A_333 = tpu.vector_load %arg4[%get3A_331, %get3A_332] {strides = array<i32>} : memref<16x1024xf32, #tpu.memory_space<vmem>>, vector<16xf32>,
        %add3A_334 = arith.addf %scan3A_309, %get3A_333 : vector<16xf32>
        %get3A_335 = arith.constant 2 : i32
        %get3A_336 = arith.index_cast %get3A_335 : i32 to index
        %get3A_337 = arith.index_cast %multiple_of3A : i32 to index
        %get3A_338 = tpu.vector_load %arg4[%get3A_336, %get3A_337] {strides = array<i32>} : memref<16x1024xf32, #tpu.memory_space<vmem>>, vector<16xf32>,
        %add3A_339 = arith.addf %scan3A_310, %get3A_338 : vector<16xf32>
        %get3A_340 = arith.constant 3 : i32
        %get3A_341 = arith.index_cast %get3A_340 : i32 to index
        %get3A_342 = arith.index_cast %multiple_of3A : i32 to index
        %get3A_343 = tpu.vector_load %arg4[%get3A_341, %get3A_342] {strides = array<i32>} : memref<16x1024xf32, #tpu.memory_space<vmem>>, vector<16xf32>,
        %add3A_344 = arith.addf %scan3A_311, %get3A_343 : vector<16xf32>
        %get3A_345 = arith.constant 4 : i32
        %get3A_346 = arith.index_cast %get3A_345 : i32 to index
        %get3A_347 = arith.index_cast %multiple_of3A : i32 to index
        %get3A_348 = tpu.vector_load %arg4[%get3A_346, %get3A_347] {strides = array<i32>} : memref<16x1024xf32, #tpu.memory_space<vmem>>, vector<16xf32>,
        %add3A_349 = arith.addf %scan3A_312, %get3A_348 : vector<16xf32>
        %get3A_350 = arith.constant 5 : i32
        %get3A_351 = arith.index_cast %get3A_350 : i32 to index
        %get3A_352 = arith.index_cast %multiple_of3A : i32 to index
        %get3A_353 = tpu.vector_load %arg4[%get3A_351, %get3A_352] {strides = array<i32>} : memref<16x1024xf32, #tpu.memory_space<vmem>>, vector<16xf32>,
        %add3A_354 = arith.addf %scan3A_313, %get3A_353 : vector<16xf32>
        %get3A_355 = arith.constant 6 : i32
        %get3A_356 = arith.index_cast %get3A_355 : i32 to index
        %get3A_357 = arith.index_cast %multiple_of3A : i32 to index
        %get3A_358 = tpu.vector_load %arg4[%get3A_356, %get3A_357] {strides = array<i32>} : memref<16x1024xf32, #tpu.memory_space<vmem>>, vector<16xf32>,
        %add3A_359 = arith.addf %scan3A_314, %get3A_358 : vector<16xf32>
        %get3A_360 = arith.constant 7 : i32
        %get3A_361 = arith.index_cast %get3A_360 : i32 to index
        %get3A_362 = arith.index_cast %multiple_of3A : i32 to index
        %get3A_363 = tpu.vector_load %arg4[%get3A_361, %get3A_362] {strides = array<i32>} : memref<16x1024xf32, #tpu.memory_space<vmem>>, vector<16xf32>,
        %add3A_364 = arith.addf %scan3A_315, %get3A_363 : vector<16xf32>
        %get3A_365 = arith.constant 8 : i32
        %get3A_366 = arith.index_cast %get3A_365 : i32 to index
        %get3A_367 = arith.index_cast %multiple_of3A : i32 to index
        %get3A_368 = tpu.vector_load %arg4[%get3A_366, %get3A_367] {strides = array<i32>} : memref<16x1024xf32, #tpu.memory_space<vmem>>, vector<16xf32>,
        %add3A_369 = arith.addf %scan3A_316, %get3A_368 : vector<16xf32>
        %get3A_370 = arith.constant 9 : i32
        %get3A_371 = arith.index_cast %get3A_370 : i32 to index
        %get3A_372 = arith.index_cast %multiple_of3A : i32 to index
        %get3A_373 = tpu.vector_load %arg4[%get3A_371, %get3A_372] {strides = array<i32>} : memref<16x1024xf32, #tpu.memory_space<vmem>>, vector<16xf32>,
        %add3A_374 = arith.addf %scan3A_317, %get3A_373 : vector<16xf32>
        %get3A_375 = arith.constant 10 : i32
        %get3A_376 = arith.index_cast %get3A_375 : i32 to index
        %get3A_377 = arith.index_cast %multiple_of3A : i32 to index
        %get3A_378 = tpu.vector_load %arg4[%get3A_376, %get3A_377] {strides = array<i32>} : memref<16x1024xf32, #tpu.memory_space<vmem>>, vector<16xf32>,
        %add3A_379 = arith.addf %scan3A_318, %get3A_378 : vector<16xf32>
        %get3A_380 = arith.constant 11 : i32
        %get3A_381 = arith.index_cast %get3A_380 : i32 to index
        %get3A_382 = arith.index_cast %multiple_of3A : i32 to index
        %get3A_383 = tpu.vector_load %arg4[%get3A_381, %get3A_382] {strides = array<i32>} : memref<16x1024xf32, #tpu.memory_space<vmem>>, vector<16xf32>,
        %add3A_384 = arith.addf %scan3A_319, %get3A_383 : vector<16xf32>
        %get3A_385 = arith.constant 12 : i32
        %get3A_386 = arith.index_cast %get3A_385 : i32 to index
        %get3A_387 = arith.index_cast %multiple_of3A : i32 to index
        %get3A_388 = tpu.vector_load %arg4[%get3A_386, %get3A_387] {strides = array<i32>} : memref<16x1024xf32, #tpu.memory_space<vmem>>, vector<16xf32>,
        %add3A_389 = arith.addf %scan3A_320, %get3A_388 : vector<16xf32>
        %get3A_390 = arith.constant 13 : i32
        %get3A_391 = arith.index_cast %get3A_390 : i32 to index
        %get3A_392 = arith.index_cast %multiple_of3A : i32 to index
        %get3A_393 = tpu.vector_load %arg4[%get3A_391, %get3A_392] {strides = array<i32>} : memref<16x1024xf32, #tpu.memory_space<vmem>>, vector<16xf32>,
        %add3A_394 = arith.addf %scan3A_321, %get3A_393 : vector<16xf32>
        %get3A_395 = arith.constant 14 : i32
        %get3A_396 = arith.index_cast %get3A_395 : i32 to index
        %get3A_397 = arith.index_cast %multiple_of3A : i32 to index
        %get3A_398 = tpu.vector_load %arg4[%get3A_396, %get3A_397] {strides = array<i32>} : memref<16x1024xf32, #tpu.memory_space<vmem>>, vector<16xf32>,
        %add3A_399 = arith.addf %scan3A_322, %get3A_398 : vector<16xf32>
        %get3A_400 = arith.constant 15 : i32
        %get3A_401 = arith.index_cast %get3A_400 : i32 to index
        %get3A_402 = arith.index_cast %multiple_of3A : i32 to index
        %get3A_403 = tpu.vector_load %arg4[%get3A_401, %get3A_402] {strides = array<i32>} : memref<16x1024xf32, #tpu.memory_space<vmem>>, vector<16xf32>,
        %add3A_404 = arith.addf %scan3A_323, %get3A_403 : vector<16xf32>
        scf.yield %add3A_329, %add3A_334, %add3A_339, %add3A_344, %add3A_349, %add3A_354, %add3A_359, %add3A_364, %add3A_369, %add3A_374, %add3A_379, %add3A_384, %add3A_389, %add3A_394, %add3A_399, %add3A_404 : vector<16xf32>, vector<16xf32>, vector<16xf32>, vector<16xf32>, vector<16xf32>, vector<16xf32>, vector<16xf32>, vector<16xf32>, vector<16xf32>, vector<16xf32>, vector<16xf32>, vector<16xf32>, vector<16xf32>, vector<16xf32>, vector<16xf32>, vector<16xf32>
      }
      %scan3A_54 = arith.constant 64 : i32
      %add3A_55 = arith.constant 2048 : i32
      %add3A_56 = arith.addi %add3A_6, %add3A_55 : i32
      %dma_start3A_57 = arith.constant 0 : i32
      %dma_start3A_58 = tpu.memref_slice %arg2[%dma_start3A_57, %add3A_56] : memref<16x320000xf32, #tpu.memory_space<hbm>> -> memref<16x1024xf32, #tpu.memory_space<hbm>>
      %dma_start3A_59 = arith.constant 0 : i32
      %dma_start3A_60 = tpu.memref_slice %arg2[%dma_start3A_59, %add3A_56] : memref<16x320000xf32, #tpu.memory_space<hbm>> -> memref<16x1024xf32, #tpu.memory_space<hbm>>
      tpu.enqueue_dma source(%dma_start3A_60 : memref<16x1024xf32, #tpu.memory_space<hbm>>) target(%arg4 : memref<16x1024xf32, #tpu.memory_space<vmem>>) target_semaphore(%arg7 : memref<!tpu.dma_semaphore, #tpu.memory_space<semaphore_mem>>)
      %dma_wait3A_61 = arith.constant 0 : i32
      %dma_wait3A_62 = tpu.memref_slice %arg2[%dma_wait3A_61, %add3A_42] : memref<16x320000xf32, #tpu.memory_space<hbm>> -> memref<16x1024xf32, #tpu.memory_space<hbm>>
      %dma_wait3A_63 = arith.constant 0 : i32
      %dma_wait3A_64 = tpu.memref_slice %arg2[%dma_wait3A_63, %add3A_42] : memref<16x320000xf32, #tpu.memory_space<hbm>> -> memref<16x1024xf32, #tpu.memory_space<hbm>>
      tpu.wait_dma2 semaphore(%arg8 : memref<!tpu.dma_semaphore, #tpu.memory_space<semaphore_mem>>) src(%dma_wait3A_64 : memref<16x1024xf32, #tpu.memory_space<hbm>>) dst(%arg5 : memref<16x1024xf32, #tpu.memory_space<vmem>>)
      %scan3A_65 = arith.constant 0 : i32
      %scan3A_66 = arith.constant 64 : i32
      %scan3A_67 = arith.addi %scan3A_65, %scan3A_66 : i32
      %scan3A_68 = arith.constant 1 : i32
      %scan3A_69:16 = scf.for %scan3A_307 = %scan3A_65 to %scan3A_67 step %scan3A_68 iter_args(%scan3A_308 = %scan3A_53#0, %scan3A_309 = %scan3A_53#1, %scan3A_310 = %scan3A_53#2, %scan3A_311 = %scan3A_53#3, %scan3A_312 = %scan3A_53#4, %scan3A_313 = %scan3A_53#5, %scan3A_314 = %scan3A_53#6, %scan3A_315 = %scan3A_53#7, %scan3A_316 = %scan3A_53#8, %scan3A_317 = %scan3A_53#9, %scan3A_318 = %scan3A_53#10, %scan3A_319 = %scan3A_53#11, %scan3A_320 = %scan3A_53#12, %scan3A_321 = %scan3A_53#13, %scan3A_322 = %scan3A_53#14, %scan3A_323 = %scan3A_53#15) -> (vector<16xf32>, vector<16xf32>, vector<16xf32>, vector<16xf32>, vector<16xf32>, vector<16xf32>, vector<16xf32>, vector<16xf32>, vector<16xf32>, vector<16xf32>, vector<16xf32>, vector<16xf32>, vector<16xf32>, vector<16xf32>, vector<16xf32>, vector<16xf32>)  : i32 {
        %mul3A_324 = arith.constant 16 : i32
        %mul3A_325 = arith.muli %scan3A_307, %mul3A_324 : i32
        %multiple_of3A = tpu.assume_multiple %mul3A_325, 16 : i32
        %get3A = arith.constant 0 : i32
        %get3A_326 = arith.index_cast %get3A : i32 to index
        %get3A_327 = arith.index_cast %multiple_of3A : i32 to index
        %get3A_328 = tpu.vector_load %arg5[%get3A_326, %get3A_327] {strides = array<i32>} : memref<16x1024xf32, #tpu.memory_space<vmem>>, vector<16xf32>,
        %add3A_329 = arith.addf %scan3A_308, %get3A_328 : vector<16xf32>
        %get3A_330 = arith.constant 1 : i32
        %get3A_331 = arith.index_cast %get3A_330 : i32 to index
        %get3A_332 = arith.index_cast %multiple_of3A : i32 to index
        %get3A_333 = tpu.vector_load %arg5[%get3A_331, %get3A_332] {strides = array<i32>} : memref<16x1024xf32, #tpu.memory_space<vmem>>, vector<16xf32>,
        %add3A_334 = arith.addf %scan3A_309, %get3A_333 : vector<16xf32>
        %get3A_335 = arith.constant 2 : i32
        %get3A_336 = arith.index_cast %get3A_335 : i32 to index
        %get3A_337 = arith.index_cast %multiple_of3A : i32 to index
        %get3A_338 = tpu.vector_load %arg5[%get3A_336, %get3A_337] {strides = array<i32>} : memref<16x1024xf32, #tpu.memory_space<vmem>>, vector<16xf32>,
        %add3A_339 = arith.addf %scan3A_310, %get3A_338 : vector<16xf32>
        %get3A_340 = arith.constant 3 : i32
        %get3A_341 = arith.index_cast %get3A_340 : i32 to index
        %get3A_342 = arith.index_cast %multiple_of3A : i32 to index
        %get3A_343 = tpu.vector_load %arg5[%get3A_341, %get3A_342] {strides = array<i32>} : memref<16x1024xf32, #tpu.memory_space<vmem>>, vector<16xf32>,
        %add3A_344 = arith.addf %scan3A_311, %get3A_343 : vector<16xf32>
        %get3A_345 = arith.constant 4 : i32
        %get3A_346 = arith.index_cast %get3A_345 : i32 to index
        %get3A_347 = arith.index_cast %multiple_of3A : i32 to index
        %get3A_348 = tpu.vector_load %arg5[%get3A_346, %get3A_347] {strides = array<i32>} : memref<16x1024xf32, #tpu.memory_space<vmem>>, vector<16xf32>,
        %add3A_349 = arith.addf %scan3A_312, %get3A_348 : vector<16xf32>
        %get3A_350 = arith.constant 5 : i32
        %get3A_351 = arith.index_cast %get3A_350 : i32 to index
        %get3A_352 = arith.index_cast %multiple_of3A : i32 to index
        %get3A_353 = tpu.vector_load %arg5[%get3A_351, %get3A_352] {strides = array<i32>} : memref<16x1024xf32, #tpu.memory_space<vmem>>, vector<16xf32>,
        %add3A_354 = arith.addf %scan3A_313, %get3A_353 : vector<16xf32>
        %get3A_355 = arith.constant 6 : i32
        %get3A_356 = arith.index_cast %get3A_355 : i32 to index
        %get3A_357 = arith.index_cast %multiple_of3A : i32 to index
        %get3A_358 = tpu.vector_load %arg5[%get3A_356, %get3A_357] {strides = array<i32>} : memref<16x1024xf32, #tpu.memory_space<vmem>>, vector<16xf32>,
        %add3A_359 = arith.addf %scan3A_314, %get3A_358 : vector<16xf32>
        %get3A_360 = arith.constant 7 : i32
        %get3A_361 = arith.index_cast %get3A_360 : i32 to index
        %get3A_362 = arith.index_cast %multiple_of3A : i32 to index
        %get3A_363 = tpu.vector_load %arg5[%get3A_361, %get3A_362] {strides = array<i32>} : memref<16x1024xf32, #tpu.memory_space<vmem>>, vector<16xf32>,
        %add3A_364 = arith.addf %scan3A_315, %get3A_363 : vector<16xf32>
        %get3A_365 = arith.constant 8 : i32
        %get3A_366 = arith.index_cast %get3A_365 : i32 to index
        %get3A_367 = arith.index_cast %multiple_of3A : i32 to index
        %get3A_368 = tpu.vector_load %arg5[%get3A_366, %get3A_367] {strides = array<i32>} : memref<16x1024xf32, #tpu.memory_space<vmem>>, vector<16xf32>,
        %add3A_369 = arith.addf %scan3A_316, %get3A_368 : vector<16xf32>
        %get3A_370 = arith.constant 9 : i32
        %get3A_371 = arith.index_cast %get3A_370 : i32 to index
        %get3A_372 = arith.index_cast %multiple_of3A : i32 to index
        %get3A_373 = tpu.vector_load %arg5[%get3A_371, %get3A_372] {strides = array<i32>} : memref<16x1024xf32, #tpu.memory_space<vmem>>, vector<16xf32>,
        %add3A_374 = arith.addf %scan3A_317, %get3A_373 : vector<16xf32>
        %get3A_375 = arith.constant 10 : i32
        %get3A_376 = arith.index_cast %get3A_375 : i32 to index
        %get3A_377 = arith.index_cast %multiple_of3A : i32 to index
        %get3A_378 = tpu.vector_load %arg5[%get3A_376, %get3A_377] {strides = array<i32>} : memref<16x1024xf32, #tpu.memory_space<vmem>>, vector<16xf32>,
        %add3A_379 = arith.addf %scan3A_318, %get3A_378 : vector<16xf32>
        %get3A_380 = arith.constant 11 : i32
        %get3A_381 = arith.index_cast %get3A_380 : i32 to index
        %get3A_382 = arith.index_cast %multiple_of3A : i32 to index
        %get3A_383 = tpu.vector_load %arg5[%get3A_381, %get3A_382] {strides = array<i32>} : memref<16x1024xf32, #tpu.memory_space<vmem>>, vector<16xf32>,
        %add3A_384 = arith.addf %scan3A_319, %get3A_383 : vector<16xf32>
        %get3A_385 = arith.constant 12 : i32
        %get3A_386 = arith.index_cast %get3A_385 : i32 to index
        %get3A_387 = arith.index_cast %multiple_of3A : i32 to index
        %get3A_388 = tpu.vector_load %arg5[%get3A_386, %get3A_387] {strides = array<i32>} : memref<16x1024xf32, #tpu.memory_space<vmem>>, vector<16xf32>,
        %add3A_389 = arith.addf %scan3A_320, %get3A_388 : vector<16xf32>
        %get3A_390 = arith.constant 13 : i32
        %get3A_391 = arith.index_cast %get3A_390 : i32 to index
        %get3A_392 = arith.index_cast %multiple_of3A : i32 to index
        %get3A_393 = tpu.vector_load %arg5[%get3A_391, %get3A_392] {strides = array<i32>} : memref<16x1024xf32, #tpu.memory_space<vmem>>, vector<16xf32>,
        %add3A_394 = arith.addf %scan3A_321, %get3A_393 : vector<16xf32>
        %get3A_395 = arith.constant 14 : i32
        %get3A_396 = arith.index_cast %get3A_395 : i32 to index
        %get3A_397 = arith.index_cast %multiple_of3A : i32 to index
        %get3A_398 = tpu.vector_load %arg5[%get3A_396, %get3A_397] {strides = array<i32>} : memref<16x1024xf32, #tpu.memory_space<vmem>>, vector<16xf32>,
        %add3A_399 = arith.addf %scan3A_322, %get3A_398 : vector<16xf32>
        %get3A_400 = arith.constant 15 : i32
        %get3A_401 = arith.index_cast %get3A_400 : i32 to index
        %get3A_402 = arith.index_cast %multiple_of3A : i32 to index
        %get3A_403 = tpu.vector_load %arg5[%get3A_401, %get3A_402] {strides = array<i32>} : memref<16x1024xf32, #tpu.memory_space<vmem>>, vector<16xf32>,
        %add3A_404 = arith.addf %scan3A_323, %get3A_403 : vector<16xf32>
        scf.yield %add3A_329, %add3A_334, %add3A_339, %add3A_344, %add3A_349, %add3A_354, %add3A_359, %add3A_364, %add3A_369, %add3A_374, %add3A_379, %add3A_384, %add3A_389, %add3A_394, %add3A_399, %add3A_404 : vector<16xf32>, vector<16xf32>, vector<16xf32>, vector<16xf32>, vector<16xf32>, vector<16xf32>, vector<16xf32>, vector<16xf32>, vector<16xf32>, vector<16xf32>, vector<16xf32>, vector<16xf32>, vector<16xf32>, vector<16xf32>, vector<16xf32>, vector<16xf32>
      }
      %scan3A_70 = arith.constant 64 : i32
      %add3A_71 = arith.constant 3072 : i32
      %add3A_72 = arith.addi %add3A_6, %add3A_71 : i32
      %dma_start3A_73 = arith.constant 0 : i32
      %dma_start3A_74 = tpu.memref_slice %arg2[%dma_start3A_73, %add3A_72] : memref<16x320000xf32, #tpu.memory_space<hbm>> -> memref<16x1024xf32, #tpu.memory_space<hbm>>
      %dma_start3A_75 = arith.constant 0 : i32
      %dma_start3A_76 = tpu.memref_slice %arg2[%dma_start3A_75, %add3A_72] : memref<16x320000xf32, #tpu.memory_space<hbm>> -> memref<16x1024xf32, #tpu.memory_space<hbm>>
      tpu.enqueue_dma source(%dma_start3A_76 : memref<16x1024xf32, #tpu.memory_space<hbm>>) target(%arg5 : memref<16x1024xf32, #tpu.memory_space<vmem>>) target_semaphore(%arg8 : memref<!tpu.dma_semaphore, #tpu.memory_space<semaphore_mem>>)
      %dma_wait3A_77 = arith.constant 0 : i32
      %dma_wait3A_78 = tpu.memref_slice %arg2[%dma_wait3A_77, %add3A_56] : memref<16x320000xf32, #tpu.memory_space<hbm>> -> memref<16x1024xf32, #tpu.memory_space<hbm>>
      %dma_wait3A_79 = arith.constant 0 : i32
      %dma_wait3A_80 = tpu.memref_slice %arg2[%dma_wait3A_79, %add3A_56] : memref<16x320000xf32, #tpu.memory_space<hbm>> -> memref<16x1024xf32, #tpu.memory_space<hbm>>
      tpu.wait_dma2 semaphore(%arg7 : memref<!tpu.dma_semaphore, #tpu.memory_space<semaphore_mem>>) src(%dma_wait3A_80 : memref<16x1024xf32, #tpu.memory_space<hbm>>) dst(%arg4 : memref<16x1024xf32, #tpu.memory_space<vmem>>)
      %scan3A_81 = arith.constant 0 : i32
      %scan3A_82 = arith.constant 64 : i32
      %scan3A_83 = arith.addi %scan3A_81, %scan3A_82 : i32
      %scan3A_84 = arith.constant 1 : i32
      %scan3A_85:16 = scf.for %scan3A_307 = %scan3A_81 to %scan3A_83 step %scan3A_84 iter_args(%scan3A_308 = %scan3A_69#0, %scan3A_309 = %scan3A_69#1, %scan3A_310 = %scan3A_69#2, %scan3A_311 = %scan3A_69#3, %scan3A_312 = %scan3A_69#4, %scan3A_313 = %scan3A_69#5, %scan3A_314 = %scan3A_69#6, %scan3A_315 = %scan3A_69#7, %scan3A_316 = %scan3A_69#8, %scan3A_317 = %scan3A_69#9, %scan3A_318 = %scan3A_69#10, %scan3A_319 = %scan3A_69#11, %scan3A_320 = %scan3A_69#12, %scan3A_321 = %scan3A_69#13, %scan3A_322 = %scan3A_69#14, %scan3A_323 = %scan3A_69#15) -> (vector<16xf32>, vector<16xf32>, vector<16xf32>, vector<16xf32>, vector<16xf32>, vector<16xf32>, vector<16xf32>, vector<16xf32>, vector<16xf32>, vector<16xf32>, vector<16xf32>, vector<16xf32>, vector<16xf32>, vector<16xf32>, vector<16xf32>, vector<16xf32>)  : i32 {
        %mul3A_324 = arith.constant 16 : i32
        %mul3A_325 = arith.muli %scan3A_307, %mul3A_324 : i32
        %multiple_of3A = tpu.assume_multiple %mul3A_325, 16 : i32
        %get3A = arith.constant 0 : i32
        %get3A_326 = arith.index_cast %get3A : i32 to index
        %get3A_327 = arith.index_cast %multiple_of3A : i32 to index
        %get3A_328 = tpu.vector_load %arg4[%get3A_326, %get3A_327] {strides = array<i32>} : memref<16x1024xf32, #tpu.memory_space<vmem>>, vector<16xf32>,
        %add3A_329 = arith.addf %scan3A_308, %get3A_328 : vector<16xf32>
        %get3A_330 = arith.constant 1 : i32
        %get3A_331 = arith.index_cast %get3A_330 : i32 to index
        %get3A_332 = arith.index_cast %multiple_of3A : i32 to index
        %get3A_333 = tpu.vector_load %arg4[%get3A_331, %get3A_332] {strides = array<i32>} : memref<16x1024xf32, #tpu.memory_space<vmem>>, vector<16xf32>,
        %add3A_334 = arith.addf %scan3A_309, %get3A_333 : vector<16xf32>
        %get3A_335 = arith.constant 2 : i32
        %get3A_336 = arith.index_cast %get3A_335 : i32 to index
        %get3A_337 = arith.index_cast %multiple_of3A : i32 to index
        %get3A_338 = tpu.vector_load %arg4[%get3A_336, %get3A_337] {strides = array<i32>} : memref<16x1024xf32, #tpu.memory_space<vmem>>, vector<16xf32>,
        %add3A_339 = arith.addf %scan3A_310, %get3A_338 : vector<16xf32>
        %get3A_340 = arith.constant 3 : i32
        %get3A_341 = arith.index_cast %get3A_340 : i32 to index
        %get3A_342 = arith.index_cast %multiple_of3A : i32 to index
        %get3A_343 = tpu.vector_load %arg4[%get3A_341, %get3A_342] {strides = array<i32>} : memref<16x1024xf32, #tpu.memory_space<vmem>>, vector<16xf32>,
        %add3A_344 = arith.addf %scan3A_311, %get3A_343 : vector<16xf32>
        %get3A_345 = arith.constant 4 : i32
        %get3A_346 = arith.index_cast %get3A_345 : i32 to index
        %get3A_347 = arith.index_cast %multiple_of3A : i32 to index
        %get3A_348 = tpu.vector_load %arg4[%get3A_346, %get3A_347] {strides = array<i32>} : memref<16x1024xf32, #tpu.memory_space<vmem>>, vector<16xf32>,
        %add3A_349 = arith.addf %scan3A_312, %get3A_348 : vector<16xf32>
        %get3A_350 = arith.constant 5 : i32
        %get3A_351 = arith.index_cast %get3A_350 : i32 to index
        %get3A_352 = arith.index_cast %multiple_of3A : i32 to index
        %get3A_353 = tpu.vector_load %arg4[%get3A_351, %get3A_352] {strides = array<i32>} : memref<16x1024xf32, #tpu.memory_space<vmem>>, vector<16xf32>,
        %add3A_354 = arith.addf %scan3A_313, %get3A_353 : vector<16xf32>
        %get3A_355 = arith.constant 6 : i32
        %get3A_356 = arith.index_cast %get3A_355 : i32 to index
        %get3A_357 = arith.index_cast %multiple_of3A : i32 to index
        %get3A_358 = tpu.vector_load %arg4[%get3A_356, %get3A_357] {strides = array<i32>} : memref<16x1024xf32, #tpu.memory_space<vmem>>, vector<16xf32>,
        %add3A_359 = arith.addf %scan3A_314, %get3A_358 : vector<16xf32>
        %get3A_360 = arith.constant 7 : i32
        %get3A_361 = arith.index_cast %get3A_360 : i32 to index
        %get3A_362 = arith.index_cast %multiple_of3A : i32 to index
        %get3A_363 = tpu.vector_load %arg4[%get3A_361, %get3A_362] {strides = array<i32>} : memref<16x1024xf32, #tpu.memory_space<vmem>>, vector<16xf32>,
        %add3A_364 = arith.addf %scan3A_315, %get3A_363 : vector<16xf32>
        %get3A_365 = arith.constant 8 : i32
        %get3A_366 = arith.index_cast %get3A_365 : i32 to index
        %get3A_367 = arith.index_cast %multiple_of3A : i32 to index
        %get3A_368 = tpu.vector_load %arg4[%get3A_366, %get3A_367] {strides = array<i32>} : memref<16x1024xf32, #tpu.memory_space<vmem>>, vector<16xf32>,
        %add3A_369 = arith.addf %scan3A_316, %get3A_368 : vector<16xf32>
        %get3A_370 = arith.constant 9 : i32
        %get3A_371 = arith.index_cast %get3A_370 : i32 to index
        %get3A_372 = arith.index_cast %multiple_of3A : i32 to index
        %get3A_373 = tpu.vector_load %arg4[%get3A_371, %get3A_372] {strides = array<i32>} : memref<16x1024xf32, #tpu.memory_space<vmem>>, vector<16xf32>,
        %add3A_374 = arith.addf %scan3A_317, %get3A_373 : vector<16xf32>
        %get3A_375 = arith.constant 10 : i32
        %get3A_376 = arith.index_cast %get3A_375 : i32 to index
        %get3A_377 = arith.index_cast %multiple_of3A : i32 to index
        %get3A_378 = tpu.vector_load %arg4[%get3A_376, %get3A_377] {strides = array<i32>} : memref<16x1024xf32, #tpu.memory_space<vmem>>, vector<16xf32>,
        %add3A_379 = arith.addf %scan3A_318, %get3A_378 : vector<16xf32>
        %get3A_380 = arith.constant 11 : i32
        %get3A_381 = arith.index_cast %get3A_380 : i32 to index
        %get3A_382 = arith.index_cast %multiple_of3A : i32 to index
        %get3A_383 = tpu.vector_load %arg4[%get3A_381, %get3A_382] {strides = array<i32>} : memref<16x1024xf32, #tpu.memory_space<vmem>>, vector<16xf32>,
        %add3A_384 = arith.addf %scan3A_319, %get3A_383 : vector<16xf32>
        %get3A_385 = arith.constant 12 : i32
        %get3A_386 = arith.index_cast %get3A_385 : i32 to index
        %get3A_387 = arith.index_cast %multiple_of3A : i32 to index
        %get3A_388 = tpu.vector_load %arg4[%get3A_386, %get3A_387] {strides = array<i32>} : memref<16x1024xf32, #tpu.memory_space<vmem>>, vector<16xf32>,
        %add3A_389 = arith.addf %scan3A_320, %get3A_388 : vector<16xf32>
        %get3A_390 = arith.constant 13 : i32
        %get3A_391 = arith.index_cast %get3A_390 : i32 to index
        %get3A_392 = arith.index_cast %multiple_of3A : i32 to index
        %get3A_393 = tpu.vector_load %arg4[%get3A_391, %get3A_392] {strides = array<i32>} : memref<16x1024xf32, #tpu.memory_space<vmem>>, vector<16xf32>,
        %add3A_394 = arith.addf %scan3A_321, %get3A_393 : vector<16xf32>
        %get3A_395 = arith.constant 14 : i32
        %get3A_396 = arith.index_cast %get3A_395 : i32 to index
        %get3A_397 = arith.index_cast %multiple_of3A : i32 to index
        %get3A_398 = tpu.vector_load %arg4[%get3A_396, %get3A_397] {strides = array<i32>} : memref<16x1024xf32, #tpu.memory_space<vmem>>, vector<16xf32>,
        %add3A_399 = arith.addf %scan3A_322, %get3A_398 : vector<16xf32>
        %get3A_400 = arith.constant 15 : i32
        %get3A_401 = arith.index_cast %get3A_400 : i32 to index
        %get3A_402 = arith.index_cast %multiple_of3A : i32 to index
        %get3A_403 = tpu.vector_load %arg4[%get3A_401, %get3A_402] {strides = array<i32>} : memref<16x1024xf32, #tpu.memory_space<vmem>>, vector<16xf32>,
        %add3A_404 = arith.addf %scan3A_323, %get3A_403 : vector<16xf32>
        scf.yield %add3A_329, %add3A_334, %add3A_339, %add3A_344, %add3A_349, %add3A_354, %add3A_359, %add3A_364, %add3A_369, %add3A_374, %add3A_379, %add3A_384, %add3A_389, %add3A_394, %add3A_399, %add3A_404 : vector<16xf32>, vector<16xf32>, vector<16xf32>, vector<16xf32>, vector<16xf32>, vector<16xf32>, vector<16xf32>, vector<16xf32>, vector<16xf32>, vector<16xf32>, vector<16xf32>, vector<16xf32>, vector<16xf32>, vector<16xf32>, vector<16xf32>, vector<16xf32>
      }
      %scan3A_86 = arith.constant 64 : i32
      %add3A_87 = arith.constant 4096 : i32
      %add3A_88 = arith.addi %add3A_6, %add3A_87 : i32
      %dma_start3A_89 = arith.constant 0 : i32
      %dma_start3A_90 = tpu.memref_slice %arg2[%dma_start3A_89, %add3A_88] : memref<16x320000xf32, #tpu.memory_space<hbm>> -> memref<16x1024xf32, #tpu.memory_space<hbm>>
      %dma_start3A_91 = arith.constant 0 : i32
      %dma_start3A_92 = tpu.memref_slice %arg2[%dma_start3A_91, %add3A_88] : memref<16x320000xf32, #tpu.memory_space<hbm>> -> memref<16x1024xf32, #tpu.memory_space<hbm>>
      tpu.enqueue_dma source(%dma_start3A_92 : memref<16x1024xf32, #tpu.memory_space<hbm>>) target(%arg4 : memref<16x1024xf32, #tpu.memory_space<vmem>>) target_semaphore(%arg7 : memref<!tpu.dma_semaphore, #tpu.memory_space<semaphore_mem>>)
      %dma_wait3A_93 = arith.constant 0 : i32
      %dma_wait3A_94 = tpu.memref_slice %arg2[%dma_wait3A_93, %add3A_72] : memref<16x320000xf32, #tpu.memory_space<hbm>> -> memref<16x1024xf32, #tpu.memory_space<hbm>>
      %dma_wait3A_95 = arith.constant 0 : i32
      %dma_wait3A_96 = tpu.memref_slice %arg2[%dma_wait3A_95, %add3A_72] : memref<16x320000xf32, #tpu.memory_space<hbm>> -> memref<16x1024xf32, #tpu.memory_space<hbm>>
      tpu.wait_dma2 semaphore(%arg8 : memref<!tpu.dma_semaphore, #tpu.memory_space<semaphore_mem>>) src(%dma_wait3A_96 : memref<16x1024xf32, #tpu.memory_space<hbm>>) dst(%arg5 : memref<16x1024xf32, #tpu.memory_space<vmem>>)
      %scan3A_97 = arith.constant 0 : i32
      %scan3A_98 = arith.constant 64 : i32
      %scan3A_99 = arith.addi %scan3A_97, %scan3A_98 : i32
      %scan3A_100 = arith.constant 1 : i32
      %scan3A_101:16 = scf.for %scan3A_307 = %scan3A_97 to %scan3A_99 step %scan3A_100 iter_args(%scan3A_308 = %scan3A_85#0, %scan3A_309 = %scan3A_85#1, %scan3A_310 = %scan3A_85#2, %scan3A_311 = %scan3A_85#3, %scan3A_312 = %scan3A_85#4, %scan3A_313 = %scan3A_85#5, %scan3A_314 = %scan3A_85#6, %scan3A_315 = %scan3A_85#7, %scan3A_316 = %scan3A_85#8, %scan3A_317 = %scan3A_85#9, %scan3A_318 = %scan3A_85#10, %scan3A_319 = %scan3A_85#11, %scan3A_320 = %scan3A_85#12, %scan3A_321 = %scan3A_85#13, %scan3A_322 = %scan3A_85#14, %scan3A_323 = %scan3A_85#15) -> (vector<16xf32>, vector<16xf32>, vector<16xf32>, vector<16xf32>, vector<16xf32>, vector<16xf32>, vector<16xf32>, vector<16xf32>, vector<16xf32>, vector<16xf32>, vector<16xf32>, vector<16xf32>, vector<16xf32>, vector<16xf32>, vector<16xf32>, vector<16xf32>)  : i32 {
        %mul3A_324 = arith.constant 16 : i32
        %mul3A_325 = arith.muli %scan3A_307, %mul3A_324 : i32
        %multiple_of3A = tpu.assume_multiple %mul3A_325, 16 : i32
        %get3A = arith.constant 0 : i32
        %get3A_326 = arith.index_cast %get3A : i32 to index
        %get3A_327 = arith.index_cast %multiple_of3A : i32 to index
        %get3A_328 = tpu.vector_load %arg5[%get3A_326, %get3A_327] {strides = array<i32>} : memref<16x1024xf32, #tpu.memory_space<vmem>>, vector<16xf32>,
        %add3A_329 = arith.addf %scan3A_308, %get3A_328 : vector<16xf32>
        %get3A_330 = arith.constant 1 : i32
        %get3A_331 = arith.index_cast %get3A_330 : i32 to index
        %get3A_332 = arith.index_cast %multiple_of3A : i32 to index
        %get3A_333 = tpu.vector_load %arg5[%get3A_331, %get3A_332] {strides = array<i32>} : memref<16x1024xf32, #tpu.memory_space<vmem>>, vector<16xf32>,
        %add3A_334 = arith.addf %scan3A_309, %get3A_333 : vector<16xf32>
        %get3A_335 = arith.constant 2 : i32
        %get3A_336 = arith.index_cast %get3A_335 : i32 to index
        %get3A_337 = arith.index_cast %multiple_of3A : i32 to index
        %get3A_338 = tpu.vector_load %arg5[%get3A_336, %get3A_337] {strides = array<i32>} : memref<16x1024xf32, #tpu.memory_space<vmem>>, vector<16xf32>,
        %add3A_339 = arith.addf %scan3A_310, %get3A_338 : vector<16xf32>
        %get3A_340 = arith.constant 3 : i32
        %get3A_341 = arith.index_cast %get3A_340 : i32 to index
        %get3A_342 = arith.index_cast %multiple_of3A : i32 to index
        %get3A_343 = tpu.vector_load %arg5[%get3A_341, %get3A_342] {strides = array<i32>} : memref<16x1024xf32, #tpu.memory_space<vmem>>, vector<16xf32>,
        %add3A_344 = arith.addf %scan3A_311, %get3A_343 : vector<16xf32>
        %get3A_345 = arith.constant 4 : i32
        %get3A_346 = arith.index_cast %get3A_345 : i32 to index
        %get3A_347 = arith.index_cast %multiple_of3A : i32 to index
        %get3A_348 = tpu.vector_load %arg5[%get3A_346, %get3A_347] {strides = array<i32>} : memref<16x1024xf32, #tpu.memory_space<vmem>>, vector<16xf32>,
        %add3A_349 = arith.addf %scan3A_312, %get3A_348 : vector<16xf32>
        %get3A_350 = arith.constant 5 : i32
        %get3A_351 = arith.index_cast %get3A_350 : i32 to index
        %get3A_352 = arith.index_cast %multiple_of3A : i32 to index
        %get3A_353 = tpu.vector_load %arg5[%get3A_351, %get3A_352] {strides = array<i32>} : memref<16x1024xf32, #tpu.memory_space<vmem>>, vector<16xf32>,
        %add3A_354 = arith.addf %scan3A_313, %get3A_353 : vector<16xf32>
        %get3A_355 = arith.constant 6 : i32
        %get3A_356 = arith.index_cast %get3A_355 : i32 to index
        %get3A_357 = arith.index_cast %multiple_of3A : i32 to index
        %get3A_358 = tpu.vector_load %arg5[%get3A_356, %get3A_357] {strides = array<i32>} : memref<16x1024xf32, #tpu.memory_space<vmem>>, vector<16xf32>,
        %add3A_359 = arith.addf %scan3A_314, %get3A_358 : vector<16xf32>
        %get3A_360 = arith.constant 7 : i32
        %get3A_361 = arith.index_cast %get3A_360 : i32 to index
        %get3A_362 = arith.index_cast %multiple_of3A : i32 to index
        %get3A_363 = tpu.vector_load %arg5[%get3A_361, %get3A_362] {strides = array<i32>} : memref<16x1024xf32, #tpu.memory_space<vmem>>, vector<16xf32>,
        %add3A_364 = arith.addf %scan3A_315, %get3A_363 : vector<16xf32>
        %get3A_365 = arith.constant 8 : i32
        %get3A_366 = arith.index_cast %get3A_365 : i32 to index
        %get3A_367 = arith.index_cast %multiple_of3A : i32 to index
        %get3A_368 = tpu.vector_load %arg5[%get3A_366, %get3A_367] {strides = array<i32>} : memref<16x1024xf32, #tpu.memory_space<vmem>>, vector<16xf32>,
        %add3A_369 = arith.addf %scan3A_316, %get3A_368 : vector<16xf32>
        %get3A_370 = arith.constant 9 : i32
        %get3A_371 = arith.index_cast %get3A_370 : i32 to index
        %get3A_372 = arith.index_cast %multiple_of3A : i32 to index
        %get3A_373 = tpu.vector_load %arg5[%get3A_371, %get3A_372] {strides = array<i32>} : memref<16x1024xf32, #tpu.memory_space<vmem>>, vector<16xf32>,
        %add3A_374 = arith.addf %scan3A_317, %get3A_373 : vector<16xf32>
        %get3A_375 = arith.constant 10 : i32
        %get3A_376 = arith.index_cast %get3A_375 : i32 to index
        %get3A_377 = arith.index_cast %multiple_of3A : i32 to index
        %get3A_378 = tpu.vector_load %arg5[%get3A_376, %get3A_377] {strides = array<i32>} : memref<16x1024xf32, #tpu.memory_space<vmem>>, vector<16xf32>,
        %add3A_379 = arith.addf %scan3A_318, %get3A_378 : vector<16xf32>
        %get3A_380 = arith.constant 11 : i32
        %get3A_381 = arith.index_cast %get3A_380 : i32 to index
        %get3A_382 = arith.index_cast %multiple_of3A : i32 to index
        %get3A_383 = tpu.vector_load %arg5[%get3A_381, %get3A_382] {strides = array<i32>} : memref<16x1024xf32, #tpu.memory_space<vmem>>, vector<16xf32>,
        %add3A_384 = arith.addf %scan3A_319, %get3A_383 : vector<16xf32>
        %get3A_385 = arith.constant 12 : i32
        %get3A_386 = arith.index_cast %get3A_385 : i32 to index
        %get3A_387 = arith.index_cast %multiple_of3A : i32 to index
        %get3A_388 = tpu.vector_load %arg5[%get3A_386, %get3A_387] {strides = array<i32>} : memref<16x1024xf32, #tpu.memory_space<vmem>>, vector<16xf32>,
        %add3A_389 = arith.addf %scan3A_320, %get3A_388 : vector<16xf32>
        %get3A_390 = arith.constant 13 : i32
        %get3A_391 = arith.index_cast %get3A_390 : i32 to index
        %get3A_392 = arith.index_cast %multiple_of3A : i32 to index
        %get3A_393 = tpu.vector_load %arg5[%get3A_391, %get3A_392] {strides = array<i32>} : memref<16x1024xf32, #tpu.memory_space<vmem>>, vector<16xf32>,
        %add3A_394 = arith.addf %scan3A_321, %get3A_393 : vector<16xf32>
        %get3A_395 = arith.constant 14 : i32
        %get3A_396 = arith.index_cast %get3A_395 : i32 to index
        %get3A_397 = arith.index_cast %multiple_of3A : i32 to index
        %get3A_398 = tpu.vector_load %arg5[%get3A_396, %get3A_397] {strides = array<i32>} : memref<16x1024xf32, #tpu.memory_space<vmem>>, vector<16xf32>,
        %add3A_399 = arith.addf %scan3A_322, %get3A_398 : vector<16xf32>
        %get3A_400 = arith.constant 15 : i32
        %get3A_401 = arith.index_cast %get3A_400 : i32 to index
        %get3A_402 = arith.index_cast %multiple_of3A : i32 to index
        %get3A_403 = tpu.vector_load %arg5[%get3A_401, %get3A_402] {strides = array<i32>} : memref<16x1024xf32, #tpu.memory_space<vmem>>, vector<16xf32>,
        %add3A_404 = arith.addf %scan3A_323, %get3A_403 : vector<16xf32>
        scf.yield %add3A_329, %add3A_334, %add3A_339, %add3A_344, %add3A_349, %add3A_354, %add3A_359, %add3A_364, %add3A_369, %add3A_374, %add3A_379, %add3A_384, %add3A_389, %add3A_394, %add3A_399, %add3A_404 : vector<16xf32>, vector<16xf32>, vector<16xf32>, vector<16xf32>, vector<16xf32>, vector<16xf32>, vector<16xf32>, vector<16xf32>, vector<16xf32>, vector<16xf32>, vector<16xf32>, vector<16xf32>, vector<16xf32>, vector<16xf32>, vector<16xf32>, vector<16xf32>
      }
      %scan3A_102 = arith.constant 64 : i32
      %add3A_103 = arith.constant 5120 : i32
      %add3A_104 = arith.addi %add3A_6, %add3A_103 : i32
      %dma_start3A_105 = arith.constant 0 : i32
      %dma_start3A_106 = tpu.memref_slice %arg2[%dma_start3A_105, %add3A_104] : memref<16x320000xf32, #tpu.memory_space<hbm>> -> memref<16x1024xf32, #tpu.memory_space<hbm>>
      %dma_start3A_107 = arith.constant 0 : i32
      %dma_start3A_108 = tpu.memref_slice %arg2[%dma_start3A_107, %add3A_104] : memref<16x320000xf32, #tpu.memory_space<hbm>> -> memref<16x1024xf32, #tpu.memory_space<hbm>>
      tpu.enqueue_dma source(%dma_start3A_108 : memref<16x1024xf32, #tpu.memory_space<hbm>>) target(%arg5 : memref<16x1024xf32, #tpu.memory_space<vmem>>) target_semaphore(%arg8 : memref<!tpu.dma_semaphore, #tpu.memory_space<semaphore_mem>>)
      %dma_wait3A_109 = arith.constant 0 : i32
      %dma_wait3A_110 = tpu.memref_slice %arg2[%dma_wait3A_109, %add3A_88] : memref<16x320000xf32, #tpu.memory_space<hbm>> -> memref<16x1024xf32, #tpu.memory_space<hbm>>
      %dma_wait3A_111 = arith.constant 0 : i32
      %dma_wait3A_112 = tpu.memref_slice %arg2[%dma_wait3A_111, %add3A_88] : memref<16x320000xf32, #tpu.memory_space<hbm>> -> memref<16x1024xf32, #tpu.memory_space<hbm>>
      tpu.wait_dma2 semaphore(%arg7 : memref<!tpu.dma_semaphore, #tpu.memory_space<semaphore_mem>>) src(%dma_wait3A_112 : memref<16x1024xf32, #tpu.memory_space<hbm>>) dst(%arg4 : memref<16x1024xf32, #tpu.memory_space<vmem>>)
      %scan3A_113 = arith.constant 0 : i32
      %scan3A_114 = arith.constant 64 : i32
      %scan3A_115 = arith.addi %scan3A_113, %scan3A_114 : i32
      %scan3A_116 = arith.constant 1 : i32
      %scan3A_117:16 = scf.for %scan3A_307 = %scan3A_113 to %scan3A_115 step %scan3A_116 iter_args(%scan3A_308 = %scan3A_101#0, %scan3A_309 = %scan3A_101#1, %scan3A_310 = %scan3A_101#2, %scan3A_311 = %scan3A_101#3, %scan3A_312 = %scan3A_101#4, %scan3A_313 = %scan3A_101#5, %scan3A_314 = %scan3A_101#6, %scan3A_315 = %scan3A_101#7, %scan3A_316 = %scan3A_101#8, %scan3A_317 = %scan3A_101#9, %scan3A_318 = %scan3A_101#10, %scan3A_319 = %scan3A_101#11, %scan3A_320 = %scan3A_101#12, %scan3A_321 = %scan3A_101#13, %scan3A_322 = %scan3A_101#14, %scan3A_323 = %scan3A_101#15) -> (vector<16xf32>, vector<16xf32>, vector<16xf32>, vector<16xf32>, vector<16xf32>, vector<16xf32>, vector<16xf32>, vector<16xf32>, vector<16xf32>, vector<16xf32>, vector<16xf32>, vector<16xf32>, vector<16xf32>, vector<16xf32>, vector<16xf32>, vector<16xf32>)  : i32 {
        %mul3A_324 = arith.constant 16 : i32
        %mul3A_325 = arith.muli %scan3A_307, %mul3A_324 : i32
        %multiple_of3A = tpu.assume_multiple %mul3A_325, 16 : i32
        %get3A = arith.constant 0 : i32
        %get3A_326 = arith.index_cast %get3A : i32 to index
        %get3A_327 = arith.index_cast %multiple_of3A : i32 to index
        %get3A_328 = tpu.vector_load %arg4[%get3A_326, %get3A_327] {strides = array<i32>} : memref<16x1024xf32, #tpu.memory_space<vmem>>, vector<16xf32>,
        %add3A_329 = arith.addf %scan3A_308, %get3A_328 : vector<16xf32>
        %get3A_330 = arith.constant 1 : i32
        %get3A_331 = arith.index_cast %get3A_330 : i32 to index
        %get3A_332 = arith.index_cast %multiple_of3A : i32 to index
        %get3A_333 = tpu.vector_load %arg4[%get3A_331, %get3A_332] {strides = array<i32>} : memref<16x1024xf32, #tpu.memory_space<vmem>>, vector<16xf32>,
        %add3A_334 = arith.addf %scan3A_309, %get3A_333 : vector<16xf32>
        %get3A_335 = arith.constant 2 : i32
        %get3A_336 = arith.index_cast %get3A_335 : i32 to index
        %get3A_337 = arith.index_cast %multiple_of3A : i32 to index
        %get3A_338 = tpu.vector_load %arg4[%get3A_336, %get3A_337] {strides = array<i32>} : memref<16x1024xf32, #tpu.memory_space<vmem>>, vector<16xf32>,
        %add3A_339 = arith.addf %scan3A_310, %get3A_338 : vector<16xf32>
        %get3A_340 = arith.constant 3 : i32
        %get3A_341 = arith.index_cast %get3A_340 : i32 to index
        %get3A_342 = arith.index_cast %multiple_of3A : i32 to index
        %get3A_343 = tpu.vector_load %arg4[%get3A_341, %get3A_342] {strides = array<i32>} : memref<16x1024xf32, #tpu.memory_space<vmem>>, vector<16xf32>,
        %add3A_344 = arith.addf %scan3A_311, %get3A_343 : vector<16xf32>
        %get3A_345 = arith.constant 4 : i32
        %get3A_346 = arith.index_cast %get3A_345 : i32 to index
        %get3A_347 = arith.index_cast %multiple_of3A : i32 to index
        %get3A_348 = tpu.vector_load %arg4[%get3A_346, %get3A_347] {strides = array<i32>} : memref<16x1024xf32, #tpu.memory_space<vmem>>, vector<16xf32>,
        %add3A_349 = arith.addf %scan3A_312, %get3A_348 : vector<16xf32>
        %get3A_350 = arith.constant 5 : i32
        %get3A_351 = arith.index_cast %get3A_350 : i32 to index
        %get3A_352 = arith.index_cast %multiple_of3A : i32 to index
        %get3A_353 = tpu.vector_load %arg4[%get3A_351, %get3A_352] {strides = array<i32>} : memref<16x1024xf32, #tpu.memory_space<vmem>>, vector<16xf32>,
        %add3A_354 = arith.addf %scan3A_313, %get3A_353 : vector<16xf32>
        %get3A_355 = arith.constant 6 : i32
        %get3A_356 = arith.index_cast %get3A_355 : i32 to index
        %get3A_357 = arith.index_cast %multiple_of3A : i32 to index
        %get3A_358 = tpu.vector_load %arg4[%get3A_356, %get3A_357] {strides = array<i32>} : memref<16x1024xf32, #tpu.memory_space<vmem>>, vector<16xf32>,
        %add3A_359 = arith.addf %scan3A_314, %get3A_358 : vector<16xf32>
        %get3A_360 = arith.constant 7 : i32
        %get3A_361 = arith.index_cast %get3A_360 : i32 to index
        %get3A_362 = arith.index_cast %multiple_of3A : i32 to index
        %get3A_363 = tpu.vector_load %arg4[%get3A_361, %get3A_362] {strides = array<i32>} : memref<16x1024xf32, #tpu.memory_space<vmem>>, vector<16xf32>,
        %add3A_364 = arith.addf %scan3A_315, %get3A_363 : vector<16xf32>
        %get3A_365 = arith.constant 8 : i32
        %get3A_366 = arith.index_cast %get3A_365 : i32 to index
        %get3A_367 = arith.index_cast %multiple_of3A : i32 to index
        %get3A_368 = tpu.vector_load %arg4[%get3A_366, %get3A_367] {strides = array<i32>} : memref<16x1024xf32, #tpu.memory_space<vmem>>, vector<16xf32>,
        %add3A_369 = arith.addf %scan3A_316, %get3A_368 : vector<16xf32>
        %get3A_370 = arith.constant 9 : i32
        %get3A_371 = arith.index_cast %get3A_370 : i32 to index
        %get3A_372 = arith.index_cast %multiple_of3A : i32 to index
        %get3A_373 = tpu.vector_load %arg4[%get3A_371, %get3A_372] {strides = array<i32>} : memref<16x1024xf32, #tpu.memory_space<vmem>>, vector<16xf32>,
        %add3A_374 = arith.addf %scan3A_317, %get3A_373 : vector<16xf32>
        %get3A_375 = arith.constant 10 : i32
        %get3A_376 = arith.index_cast %get3A_375 : i32 to index
        %get3A_377 = arith.index_cast %multiple_of3A : i32 to index
        %get3A_378 = tpu.vector_load %arg4[%get3A_376, %get3A_377] {strides = array<i32>} : memref<16x1024xf32, #tpu.memory_space<vmem>>, vector<16xf32>,
        %add3A_379 = arith.addf %scan3A_318, %get3A_378 : vector<16xf32>
        %get3A_380 = arith.constant 11 : i32
        %get3A_381 = arith.index_cast %get3A_380 : i32 to index
        %get3A_382 = arith.index_cast %multiple_of3A : i32 to index
        %get3A_383 = tpu.vector_load %arg4[%get3A_381, %get3A_382] {strides = array<i32>} : memref<16x1024xf32, #tpu.memory_space<vmem>>, vector<16xf32>,
        %add3A_384 = arith.addf %scan3A_319, %get3A_383 : vector<16xf32>
        %get3A_385 = arith.constant 12 : i32
        %get3A_386 = arith.index_cast %get3A_385 : i32 to index
        %get3A_387 = arith.index_cast %multiple_of3A : i32 to index
        %get3A_388 = tpu.vector_load %arg4[%get3A_386, %get3A_387] {strides = array<i32>} : memref<16x1024xf32, #tpu.memory_space<vmem>>, vector<16xf32>,
        %add3A_389 = arith.addf %scan3A_320, %get3A_388 : vector<16xf32>
        %get3A_390 = arith.constant 13 : i32
        %get3A_391 = arith.index_cast %get3A_390 : i32 to index
        %get3A_392 = arith.index_cast %multiple_of3A : i32 to index
        %get3A_393 = tpu.vector_load %arg4[%get3A_391, %get3A_392] {strides = array<i32>} : memref<16x1024xf32, #tpu.memory_space<vmem>>, vector<16xf32>,
        %add3A_394 = arith.addf %scan3A_321, %get3A_393 : vector<16xf32>
        %get3A_395 = arith.constant 14 : i32
        %get3A_396 = arith.index_cast %get3A_395 : i32 to index
        %get3A_397 = arith.index_cast %multiple_of3A : i32 to index
        %get3A_398 = tpu.vector_load %arg4[%get3A_396, %get3A_397] {strides = array<i32>} : memref<16x1024xf32, #tpu.memory_space<vmem>>, vector<16xf32>,
        %add3A_399 = arith.addf %scan3A_322, %get3A_398 : vector<16xf32>
        %get3A_400 = arith.constant 15 : i32
        %get3A_401 = arith.index_cast %get3A_400 : i32 to index
        %get3A_402 = arith.index_cast %multiple_of3A : i32 to index
        %get3A_403 = tpu.vector_load %arg4[%get3A_401, %get3A_402] {strides = array<i32>} : memref<16x1024xf32, #tpu.memory_space<vmem>>, vector<16xf32>,
        %add3A_404 = arith.addf %scan3A_323, %get3A_403 : vector<16xf32>
        scf.yield %add3A_329, %add3A_334, %add3A_339, %add3A_344, %add3A_349, %add3A_354, %add3A_359, %add3A_364, %add3A_369, %add3A_374, %add3A_379, %add3A_384, %add3A_389, %add3A_394, %add3A_399, %add3A_404 : vector<16xf32>, vector<16xf32>, vector<16xf32>, vector<16xf32>, vector<16xf32>, vector<16xf32>, vector<16xf32>, vector<16xf32>, vector<16xf32>, vector<16xf32>, vector<16xf32>, vector<16xf32>, vector<16xf32>, vector<16xf32>, vector<16xf32>, vector<16xf32>
      }
      %scan3A_118 = arith.constant 64 : i32
      %add3A_119 = arith.constant 6144 : i32
      %add3A_120 = arith.addi %add3A_6, %add3A_119 : i32
      %dma_start3A_121 = arith.constant 0 : i32
      %dma_start3A_122 = tpu.memref_slice %arg2[%dma_start3A_121, %add3A_120] : memref<16x320000xf32, #tpu.memory_space<hbm>> -> memref<16x1024xf32, #tpu.memory_space<hbm>>
      %dma_start3A_123 = arith.constant 0 : i32
      %dma_start3A_124 = tpu.memref_slice %arg2[%dma_start3A_123, %add3A_120] : memref<16x320000xf32, #tpu.memory_space<hbm>> -> memref<16x1024xf32, #tpu.memory_space<hbm>>
      tpu.enqueue_dma source(%dma_start3A_124 : memref<16x1024xf32, #tpu.memory_space<hbm>>) target(%arg4 : memref<16x1024xf32, #tpu.memory_space<vmem>>) target_semaphore(%arg7 : memref<!tpu.dma_semaphore, #tpu.memory_space<semaphore_mem>>)
      %dma_wait3A_125 = arith.constant 0 : i32
      %dma_wait3A_126 = tpu.memref_slice %arg2[%dma_wait3A_125, %add3A_104] : memref<16x320000xf32, #tpu.memory_space<hbm>> -> memref<16x1024xf32, #tpu.memory_space<hbm>>
      %dma_wait3A_127 = arith.constant 0 : i32
      %dma_wait3A_128 = tpu.memref_slice %arg2[%dma_wait3A_127, %add3A_104] : memref<16x320000xf32, #tpu.memory_space<hbm>> -> memref<16x1024xf32, #tpu.memory_space<hbm>>
      tpu.wait_dma2 semaphore(%arg8 : memref<!tpu.dma_semaphore, #tpu.memory_space<semaphore_mem>>) src(%dma_wait3A_128 : memref<16x1024xf32, #tpu.memory_space<hbm>>) dst(%arg5 : memref<16x1024xf32, #tpu.memory_space<vmem>>)
      %scan3A_129 = arith.constant 0 : i32
      %scan3A_130 = arith.constant 64 : i32
      %scan3A_131 = arith.addi %scan3A_129, %scan3A_130 : i32
      %scan3A_132 = arith.constant 1 : i32
      %scan3A_133:16 = scf.for %scan3A_307 = %scan3A_129 to %scan3A_131 step %scan3A_132 iter_args(%scan3A_308 = %scan3A_117#0, %scan3A_309 = %scan3A_117#1, %scan3A_310 = %scan3A_117#2, %scan3A_311 = %scan3A_117#3, %scan3A_312 = %scan3A_117#4, %scan3A_313 = %scan3A_117#5, %scan3A_314 = %scan3A_117#6, %scan3A_315 = %scan3A_117#7, %scan3A_316 = %scan3A_117#8, %scan3A_317 = %scan3A_117#9, %scan3A_318 = %scan3A_117#10, %scan3A_319 = %scan3A_117#11, %scan3A_320 = %scan3A_117#12, %scan3A_321 = %scan3A_117#13, %scan3A_322 = %scan3A_117#14, %scan3A_323 = %scan3A_117#15) -> (vector<16xf32>, vector<16xf32>, vector<16xf32>, vector<16xf32>, vector<16xf32>, vector<16xf32>, vector<16xf32>, vector<16xf32>, vector<16xf32>, vector<16xf32>, vector<16xf32>, vector<16xf32>, vector<16xf32>, vector<16xf32>, vector<16xf32>, vector<16xf32>)  : i32 {
        %mul3A_324 = arith.constant 16 : i32
        %mul3A_325 = arith.muli %scan3A_307, %mul3A_324 : i32
        %multiple_of3A = tpu.assume_multiple %mul3A_325, 16 : i32
        %get3A = arith.constant 0 : i32
        %get3A_326 = arith.index_cast %get3A : i32 to index
        %get3A_327 = arith.index_cast %multiple_of3A : i32 to index
        %get3A_328 = tpu.vector_load %arg5[%get3A_326, %get3A_327] {strides = array<i32>} : memref<16x1024xf32, #tpu.memory_space<vmem>>, vector<16xf32>,
        %add3A_329 = arith.addf %scan3A_308, %get3A_328 : vector<16xf32>
        %get3A_330 = arith.constant 1 : i32
        %get3A_331 = arith.index_cast %get3A_330 : i32 to index
        %get3A_332 = arith.index_cast %multiple_of3A : i32 to index
        %get3A_333 = tpu.vector_load %arg5[%get3A_331, %get3A_332] {strides = array<i32>} : memref<16x1024xf32, #tpu.memory_space<vmem>>, vector<16xf32>,
        %add3A_334 = arith.addf %scan3A_309, %get3A_333 : vector<16xf32>
        %get3A_335 = arith.constant 2 : i32
        %get3A_336 = arith.index_cast %get3A_335 : i32 to index
        %get3A_337 = arith.index_cast %multiple_of3A : i32 to index
        %get3A_338 = tpu.vector_load %arg5[%get3A_336, %get3A_337] {strides = array<i32>} : memref<16x1024xf32, #tpu.memory_space<vmem>>, vector<16xf32>,
        %add3A_339 = arith.addf %scan3A_310, %get3A_338 : vector<16xf32>
        %get3A_340 = arith.constant 3 : i32
        %get3A_341 = arith.index_cast %get3A_340 : i32 to index
        %get3A_342 = arith.index_cast %multiple_of3A : i32 to index
        %get3A_343 = tpu.vector_load %arg5[%get3A_341, %get3A_342] {strides = array<i32>} : memref<16x1024xf32, #tpu.memory_space<vmem>>, vector<16xf32>,
        %add3A_344 = arith.addf %scan3A_311, %get3A_343 : vector<16xf32>
        %get3A_345 = arith.constant 4 : i32
        %get3A_346 = arith.index_cast %get3A_345 : i32 to index
        %get3A_347 = arith.index_cast %multiple_of3A : i32 to index
        %get3A_348 = tpu.vector_load %arg5[%get3A_346, %get3A_347] {strides = array<i32>} : memref<16x1024xf32, #tpu.memory_space<vmem>>, vector<16xf32>,
        %add3A_349 = arith.addf %scan3A_312, %get3A_348 : vector<16xf32>
        %get3A_350 = arith.constant 5 : i32
        %get3A_351 = arith.index_cast %get3A_350 : i32 to index
        %get3A_352 = arith.index_cast %multiple_of3A : i32 to index
        %get3A_353 = tpu.vector_load %arg5[%get3A_351, %get3A_352] {strides = array<i32>} : memref<16x1024xf32, #tpu.memory_space<vmem>>, vector<16xf32>,
        %add3A_354 = arith.addf %scan3A_313, %get3A_353 : vector<16xf32>
        %get3A_355 = arith.constant 6 : i32
        %get3A_356 = arith.index_cast %get3A_355 : i32 to index
        %get3A_357 = arith.index_cast %multiple_of3A : i32 to index
        %get3A_358 = tpu.vector_load %arg5[%get3A_356, %get3A_357] {strides = array<i32>} : memref<16x1024xf32, #tpu.memory_space<vmem>>, vector<16xf32>,
        %add3A_359 = arith.addf %scan3A_314, %get3A_358 : vector<16xf32>
        %get3A_360 = arith.constant 7 : i32
        %get3A_361 = arith.index_cast %get3A_360 : i32 to index
        %get3A_362 = arith.index_cast %multiple_of3A : i32 to index
        %get3A_363 = tpu.vector_load %arg5[%get3A_361, %get3A_362] {strides = array<i32>} : memref<16x1024xf32, #tpu.memory_space<vmem>>, vector<16xf32>,
        %add3A_364 = arith.addf %scan3A_315, %get3A_363 : vector<16xf32>
        %get3A_365 = arith.constant 8 : i32
        %get3A_366 = arith.index_cast %get3A_365 : i32 to index
        %get3A_367 = arith.index_cast %multiple_of3A : i32 to index
        %get3A_368 = tpu.vector_load %arg5[%get3A_366, %get3A_367] {strides = array<i32>} : memref<16x1024xf32, #tpu.memory_space<vmem>>, vector<16xf32>,
        %add3A_369 = arith.addf %scan3A_316, %get3A_368 : vector<16xf32>
        %get3A_370 = arith.constant 9 : i32
        %get3A_371 = arith.index_cast %get3A_370 : i32 to index
        %get3A_372 = arith.index_cast %multiple_of3A : i32 to index
        %get3A_373 = tpu.vector_load %arg5[%get3A_371, %get3A_372] {strides = array<i32>} : memref<16x1024xf32, #tpu.memory_space<vmem>>, vector<16xf32>,
        %add3A_374 = arith.addf %scan3A_317, %get3A_373 : vector<16xf32>
        %get3A_375 = arith.constant 10 : i32
        %get3A_376 = arith.index_cast %get3A_375 : i32 to index
        %get3A_377 = arith.index_cast %multiple_of3A : i32 to index
        %get3A_378 = tpu.vector_load %arg5[%get3A_376, %get3A_377] {strides = array<i32>} : memref<16x1024xf32, #tpu.memory_space<vmem>>, vector<16xf32>,
        %add3A_379 = arith.addf %scan3A_318, %get3A_378 : vector<16xf32>
        %get3A_380 = arith.constant 11 : i32
        %get3A_381 = arith.index_cast %get3A_380 : i32 to index
        %get3A_382 = arith.index_cast %multiple_of3A : i32 to index
        %get3A_383 = tpu.vector_load %arg5[%get3A_381, %get3A_382] {strides = array<i32>} : memref<16x1024xf32, #tpu.memory_space<vmem>>, vector<16xf32>,
        %add3A_384 = arith.addf %scan3A_319, %get3A_383 : vector<16xf32>
        %get3A_385 = arith.constant 12 : i32
        %get3A_386 = arith.index_cast %get3A_385 : i32 to index
        %get3A_387 = arith.index_cast %multiple_of3A : i32 to index
        %get3A_388 = tpu.vector_load %arg5[%get3A_386, %get3A_387] {strides = array<i32>} : memref<16x1024xf32, #tpu.memory_space<vmem>>, vector<16xf32>,
        %add3A_389 = arith.addf %scan3A_320, %get3A_388 : vector<16xf32>
        %get3A_390 = arith.constant 13 : i32
        %get3A_391 = arith.index_cast %get3A_390 : i32 to index
        %get3A_392 = arith.index_cast %multiple_of3A : i32 to index
        %get3A_393 = tpu.vector_load %arg5[%get3A_391, %get3A_392] {strides = array<i32>} : memref<16x1024xf32, #tpu.memory_space<vmem>>, vector<16xf32>,
        %add3A_394 = arith.addf %scan3A_321, %get3A_393 : vector<16xf32>
        %get3A_395 = arith.constant 14 : i32
        %get3A_396 = arith.index_cast %get3A_395 : i32 to index
        %get3A_397 = arith.index_cast %multiple_of3A : i32 to index
        %get3A_398 = tpu.vector_load %arg5[%get3A_396, %get3A_397] {strides = array<i32>} : memref<16x1024xf32, #tpu.memory_space<vmem>>, vector<16xf32>,
        %add3A_399 = arith.addf %scan3A_322, %get3A_398 : vector<16xf32>
        %get3A_400 = arith.constant 15 : i32
        %get3A_401 = arith.index_cast %get3A_400 : i32 to index
        %get3A_402 = arith.index_cast %multiple_of3A : i32 to index
        %get3A_403 = tpu.vector_load %arg5[%get3A_401, %get3A_402] {strides = array<i32>} : memref<16x1024xf32, #tpu.memory_space<vmem>>, vector<16xf32>,
        %add3A_404 = arith.addf %scan3A_323, %get3A_403 : vector<16xf32>
        scf.yield %add3A_329, %add3A_334, %add3A_339, %add3A_344, %add3A_349, %add3A_354, %add3A_359, %add3A_364, %add3A_369, %add3A_374, %add3A_379, %add3A_384, %add3A_389, %add3A_394, %add3A_399, %add3A_404 : vector<16xf32>, vector<16xf32>, vector<16xf32>, vector<16xf32>, vector<16xf32>, vector<16xf32>, vector<16xf32>, vector<16xf32>, vector<16xf32>, vector<16xf32>, vector<16xf32>, vector<16xf32>, vector<16xf32>, vector<16xf32>, vector<16xf32>, vector<16xf32>
      }
      %scan3A_134 = arith.constant 64 : i32
      %add3A_135 = arith.constant 7168 : i32
      %add3A_136 = arith.addi %add3A_6, %add3A_135 : i32
      %dma_start3A_137 = arith.constant 0 : i32
      %dma_start3A_138 = tpu.memref_slice %arg2[%dma_start3A_137, %add3A_136] : memref<16x320000xf32, #tpu.memory_space<hbm>> -> memref<16x1024xf32, #tpu.memory_space<hbm>>
      %dma_start3A_139 = arith.constant 0 : i32
      %dma_start3A_140 = tpu.memref_slice %arg2[%dma_start3A_139, %add3A_136] : memref<16x320000xf32, #tpu.memory_space<hbm>> -> memref<16x1024xf32, #tpu.memory_space<hbm>>
      tpu.enqueue_dma source(%dma_start3A_140 : memref<16x1024xf32, #tpu.memory_space<hbm>>) target(%arg5 : memref<16x1024xf32, #tpu.memory_space<vmem>>) target_semaphore(%arg8 : memref<!tpu.dma_semaphore, #tpu.memory_space<semaphore_mem>>)
      %dma_wait3A_141 = arith.constant 0 : i32
      %dma_wait3A_142 = tpu.memref_slice %arg2[%dma_wait3A_141, %add3A_120] : memref<16x320000xf32, #tpu.memory_space<hbm>> -> memref<16x1024xf32, #tpu.memory_space<hbm>>
      %dma_wait3A_143 = arith.constant 0 : i32
      %dma_wait3A_144 = tpu.memref_slice %arg2[%dma_wait3A_143, %add3A_120] : memref<16x320000xf32, #tpu.memory_space<hbm>> -> memref<16x1024xf32, #tpu.memory_space<hbm>>
      tpu.wait_dma2 semaphore(%arg7 : memref<!tpu.dma_semaphore, #tpu.memory_space<semaphore_mem>>) src(%dma_wait3A_144 : memref<16x1024xf32, #tpu.memory_space<hbm>>) dst(%arg4 : memref<16x1024xf32, #tpu.memory_space<vmem>>)
      %scan3A_145 = arith.constant 0 : i32
      %scan3A_146 = arith.constant 64 : i32
      %scan3A_147 = arith.addi %scan3A_145, %scan3A_146 : i32
      %scan3A_148 = arith.constant 1 : i32
      %scan3A_149:16 = scf.for %scan3A_307 = %scan3A_145 to %scan3A_147 step %scan3A_148 iter_args(%scan3A_308 = %scan3A_133#0, %scan3A_309 = %scan3A_133#1, %scan3A_310 = %scan3A_133#2, %scan3A_311 = %scan3A_133#3, %scan3A_312 = %scan3A_133#4, %scan3A_313 = %scan3A_133#5, %scan3A_314 = %scan3A_133#6, %scan3A_315 = %scan3A_133#7, %scan3A_316 = %scan3A_133#8, %scan3A_317 = %scan3A_133#9, %scan3A_318 = %scan3A_133#10, %scan3A_319 = %scan3A_133#11, %scan3A_320 = %scan3A_133#12, %scan3A_321 = %scan3A_133#13, %scan3A_322 = %scan3A_133#14, %scan3A_323 = %scan3A_133#15) -> (vector<16xf32>, vector<16xf32>, vector<16xf32>, vector<16xf32>, vector<16xf32>, vector<16xf32>, vector<16xf32>, vector<16xf32>, vector<16xf32>, vector<16xf32>, vector<16xf32>, vector<16xf32>, vector<16xf32>, vector<16xf32>, vector<16xf32>, vector<16xf32>)  : i32 {
        %mul3A_324 = arith.constant 16 : i32
        %mul3A_325 = arith.muli %scan3A_307, %mul3A_324 : i32
        %multiple_of3A = tpu.assume_multiple %mul3A_325, 16 : i32
        %get3A = arith.constant 0 : i32
        %get3A_326 = arith.index_cast %get3A : i32 to index
        %get3A_327 = arith.index_cast %multiple_of3A : i32 to index
        %get3A_328 = tpu.vector_load %arg4[%get3A_326, %get3A_327] {strides = array<i32>} : memref<16x1024xf32, #tpu.memory_space<vmem>>, vector<16xf32>,
        %add3A_329 = arith.addf %scan3A_308, %get3A_328 : vector<16xf32>
        %get3A_330 = arith.constant 1 : i32
        %get3A_331 = arith.index_cast %get3A_330 : i32 to index
        %get3A_332 = arith.index_cast %multiple_of3A : i32 to index
        %get3A_333 = tpu.vector_load %arg4[%get3A_331, %get3A_332] {strides = array<i32>} : memref<16x1024xf32, #tpu.memory_space<vmem>>, vector<16xf32>,
        %add3A_334 = arith.addf %scan3A_309, %get3A_333 : vector<16xf32>
        %get3A_335 = arith.constant 2 : i32
        %get3A_336 = arith.index_cast %get3A_335 : i32 to index
        %get3A_337 = arith.index_cast %multiple_of3A : i32 to index
        %get3A_338 = tpu.vector_load %arg4[%get3A_336, %get3A_337] {strides = array<i32>} : memref<16x1024xf32, #tpu.memory_space<vmem>>, vector<16xf32>,
        %add3A_339 = arith.addf %scan3A_310, %get3A_338 : vector<16xf32>
        %get3A_340 = arith.constant 3 : i32
        %get3A_341 = arith.index_cast %get3A_340 : i32 to index
        %get3A_342 = arith.index_cast %multiple_of3A : i32 to index
        %get3A_343 = tpu.vector_load %arg4[%get3A_341, %get3A_342] {strides = array<i32>} : memref<16x1024xf32, #tpu.memory_space<vmem>>, vector<16xf32>,
        %add3A_344 = arith.addf %scan3A_311, %get3A_343 : vector<16xf32>
        %get3A_345 = arith.constant 4 : i32
        %get3A_346 = arith.index_cast %get3A_345 : i32 to index
        %get3A_347 = arith.index_cast %multiple_of3A : i32 to index
        %get3A_348 = tpu.vector_load %arg4[%get3A_346, %get3A_347] {strides = array<i32>} : memref<16x1024xf32, #tpu.memory_space<vmem>>, vector<16xf32>,
        %add3A_349 = arith.addf %scan3A_312, %get3A_348 : vector<16xf32>
        %get3A_350 = arith.constant 5 : i32
        %get3A_351 = arith.index_cast %get3A_350 : i32 to index
        %get3A_352 = arith.index_cast %multiple_of3A : i32 to index
        %get3A_353 = tpu.vector_load %arg4[%get3A_351, %get3A_352] {strides = array<i32>} : memref<16x1024xf32, #tpu.memory_space<vmem>>, vector<16xf32>,
        %add3A_354 = arith.addf %scan3A_313, %get3A_353 : vector<16xf32>
        %get3A_355 = arith.constant 6 : i32
        %get3A_356 = arith.index_cast %get3A_355 : i32 to index
        %get3A_357 = arith.index_cast %multiple_of3A : i32 to index
        %get3A_358 = tpu.vector_load %arg4[%get3A_356, %get3A_357] {strides = array<i32>} : memref<16x1024xf32, #tpu.memory_space<vmem>>, vector<16xf32>,
        %add3A_359 = arith.addf %scan3A_314, %get3A_358 : vector<16xf32>
        %get3A_360 = arith.constant 7 : i32
        %get3A_361 = arith.index_cast %get3A_360 : i32 to index
        %get3A_362 = arith.index_cast %multiple_of3A : i32 to index
        %get3A_363 = tpu.vector_load %arg4[%get3A_361, %get3A_362] {strides = array<i32>} : memref<16x1024xf32, #tpu.memory_space<vmem>>, vector<16xf32>,
        %add3A_364 = arith.addf %scan3A_315, %get3A_363 : vector<16xf32>
        %get3A_365 = arith.constant 8 : i32
        %get3A_366 = arith.index_cast %get3A_365 : i32 to index
        %get3A_367 = arith.index_cast %multiple_of3A : i32 to index
        %get3A_368 = tpu.vector_load %arg4[%get3A_366, %get3A_367] {strides = array<i32>} : memref<16x1024xf32, #tpu.memory_space<vmem>>, vector<16xf32>,
        %add3A_369 = arith.addf %scan3A_316, %get3A_368 : vector<16xf32>
        %get3A_370 = arith.constant 9 : i32
        %get3A_371 = arith.index_cast %get3A_370 : i32 to index
        %get3A_372 = arith.index_cast %multiple_of3A : i32 to index
        %get3A_373 = tpu.vector_load %arg4[%get3A_371, %get3A_372] {strides = array<i32>} : memref<16x1024xf32, #tpu.memory_space<vmem>>, vector<16xf32>,
        %add3A_374 = arith.addf %scan3A_317, %get3A_373 : vector<16xf32>
        %get3A_375 = arith.constant 10 : i32
        %get3A_376 = arith.index_cast %get3A_375 : i32 to index
        %get3A_377 = arith.index_cast %multiple_of3A : i32 to index
        %get3A_378 = tpu.vector_load %arg4[%get3A_376, %get3A_377] {strides = array<i32>} : memref<16x1024xf32, #tpu.memory_space<vmem>>, vector<16xf32>,
        %add3A_379 = arith.addf %scan3A_318, %get3A_378 : vector<16xf32>
        %get3A_380 = arith.constant 11 : i32
        %get3A_381 = arith.index_cast %get3A_380 : i32 to index
        %get3A_382 = arith.index_cast %multiple_of3A : i32 to index
        %get3A_383 = tpu.vector_load %arg4[%get3A_381, %get3A_382] {strides = array<i32>} : memref<16x1024xf32, #tpu.memory_space<vmem>>, vector<16xf32>,
        %add3A_384 = arith.addf %scan3A_319, %get3A_383 : vector<16xf32>
        %get3A_385 = arith.constant 12 : i32
        %get3A_386 = arith.index_cast %get3A_385 : i32 to index
        %get3A_387 = arith.index_cast %multiple_of3A : i32 to index
        %get3A_388 = tpu.vector_load %arg4[%get3A_386, %get3A_387] {strides = array<i32>} : memref<16x1024xf32, #tpu.memory_space<vmem>>, vector<16xf32>,
        %add3A_389 = arith.addf %scan3A_320, %get3A_388 : vector<16xf32>
        %get3A_390 = arith.constant 13 : i32
        %get3A_391 = arith.index_cast %get3A_390 : i32 to index
        %get3A_392 = arith.index_cast %multiple_of3A : i32 to index
        %get3A_393 = tpu.vector_load %arg4[%get3A_391, %get3A_392] {strides = array<i32>} : memref<16x1024xf32, #tpu.memory_space<vmem>>, vector<16xf32>,
        %add3A_394 = arith.addf %scan3A_321, %get3A_393 : vector<16xf32>
        %get3A_395 = arith.constant 14 : i32
        %get3A_396 = arith.index_cast %get3A_395 : i32 to index
        %get3A_397 = arith.index_cast %multiple_of3A : i32 to index
        %get3A_398 = tpu.vector_load %arg4[%get3A_396, %get3A_397] {strides = array<i32>} : memref<16x1024xf32, #tpu.memory_space<vmem>>, vector<16xf32>,
        %add3A_399 = arith.addf %scan3A_322, %get3A_398 : vector<16xf32>
        %get3A_400 = arith.constant 15 : i32
        %get3A_401 = arith.index_cast %get3A_400 : i32 to index
        %get3A_402 = arith.index_cast %multiple_of3A : i32 to index
        %get3A_403 = tpu.vector_load %arg4[%get3A_401, %get3A_402] {strides = array<i32>} : memref<16x1024xf32, #tpu.memory_space<vmem>>, vector<16xf32>,
        %add3A_404 = arith.addf %scan3A_323, %get3A_403 : vector<16xf32>
        scf.yield %add3A_329, %add3A_334, %add3A_339, %add3A_344, %add3A_349, %add3A_354, %add3A_359, %add3A_364, %add3A_369, %add3A_374, %add3A_379, %add3A_384, %add3A_389, %add3A_394, %add3A_399, %add3A_404 : vector<16xf32>, vector<16xf32>, vector<16xf32>, vector<16xf32>, vector<16xf32>, vector<16xf32>, vector<16xf32>, vector<16xf32>, vector<16xf32>, vector<16xf32>, vector<16xf32>, vector<16xf32>, vector<16xf32>, vector<16xf32>, vector<16xf32>, vector<16xf32>
      }
      %scan3A_150 = arith.constant 64 : i32
      %dma_wait3A_151 = arith.constant 0 : i32
      %dma_wait3A_152 = tpu.memref_slice %arg2[%dma_wait3A_151, %add3A_136] : memref<16x320000xf32, #tpu.memory_space<hbm>> -> memref<16x1024xf32, #tpu.memory_space<hbm>>
      %dma_wait3A_153 = arith.constant 0 : i32
      %dma_wait3A_154 = tpu.memref_slice %arg2[%dma_wait3A_153, %add3A_136] : memref<16x320000xf32, #tpu.memory_space<hbm>> -> memref<16x1024xf32, #tpu.memory_space<hbm>>
      tpu.wait_dma2 semaphore(%arg8 : memref<!tpu.dma_semaphore, #tpu.memory_space<semaphore_mem>>) src(%dma_wait3A_154 : memref<16x1024xf32, #tpu.memory_space<hbm>>) dst(%arg5 : memref<16x1024xf32, #tpu.memory_space<vmem>>)
      %scan3A_155 = arith.constant 0 : i32
      %scan3A_156 = arith.constant 64 : i32
      %scan3A_157 = arith.addi %scan3A_155, %scan3A_156 : i32
      %scan3A_158 = arith.constant 1 : i32
      %scan3A_159:16 = scf.for %scan3A_307 = %scan3A_155 to %scan3A_157 step %scan3A_158 iter_args(%scan3A_308 = %scan3A_149#0, %scan3A_309 = %scan3A_149#1, %scan3A_310 = %scan3A_149#2, %scan3A_311 = %scan3A_149#3, %scan3A_312 = %scan3A_149#4, %scan3A_313 = %scan3A_149#5, %scan3A_314 = %scan3A_149#6, %scan3A_315 = %scan3A_149#7, %scan3A_316 = %scan3A_149#8, %scan3A_317 = %scan3A_149#9, %scan3A_318 = %scan3A_149#10, %scan3A_319 = %scan3A_149#11, %scan3A_320 = %scan3A_149#12, %scan3A_321 = %scan3A_149#13, %scan3A_322 = %scan3A_149#14, %scan3A_323 = %scan3A_149#15) -> (vector<16xf32>, vector<16xf32>, vector<16xf32>, vector<16xf32>, vector<16xf32>, vector<16xf32>, vector<16xf32>, vector<16xf32>, vector<16xf32>, vector<16xf32>, vector<16xf32>, vector<16xf32>, vector<16xf32>, vector<16xf32>, vector<16xf32>, vector<16xf32>)  : i32 {
        %mul3A_324 = arith.constant 16 : i32
        %mul3A_325 = arith.muli %scan3A_307, %mul3A_324 : i32
        %multiple_of3A = tpu.assume_multiple %mul3A_325, 16 : i32
        %get3A = arith.constant 0 : i32
        %get3A_326 = arith.index_cast %get3A : i32 to index
        %get3A_327 = arith.index_cast %multiple_of3A : i32 to index
        %get3A_328 = tpu.vector_load %arg5[%get3A_326, %get3A_327] {strides = array<i32>} : memref<16x1024xf32, #tpu.memory_space<vmem>>, vector<16xf32>,
        %add3A_329 = arith.addf %scan3A_308, %get3A_328 : vector<16xf32>
        %get3A_330 = arith.constant 1 : i32
        %get3A_331 = arith.index_cast %get3A_330 : i32 to index
        %get3A_332 = arith.index_cast %multiple_of3A : i32 to index
        %get3A_333 = tpu.vector_load %arg5[%get3A_331, %get3A_332] {strides = array<i32>} : memref<16x1024xf32, #tpu.memory_space<vmem>>, vector<16xf32>,
        %add3A_334 = arith.addf %scan3A_309, %get3A_333 : vector<16xf32>
        %get3A_335 = arith.constant 2 : i32
        %get3A_336 = arith.index_cast %get3A_335 : i32 to index
        %get3A_337 = arith.index_cast %multiple_of3A : i32 to index
        %get3A_338 = tpu.vector_load %arg5[%get3A_336, %get3A_337] {strides = array<i32>} : memref<16x1024xf32, #tpu.memory_space<vmem>>, vector<16xf32>,
        %add3A_339 = arith.addf %scan3A_310, %get3A_338 : vector<16xf32>
        %get3A_340 = arith.constant 3 : i32
        %get3A_341 = arith.index_cast %get3A_340 : i32 to index
        %get3A_342 = arith.index_cast %multiple_of3A : i32 to index
        %get3A_343 = tpu.vector_load %arg5[%get3A_341, %get3A_342] {strides = array<i32>} : memref<16x1024xf32, #tpu.memory_space<vmem>>, vector<16xf32>,
        %add3A_344 = arith.addf %scan3A_311, %get3A_343 : vector<16xf32>
        %get3A_345 = arith.constant 4 : i32
        %get3A_346 = arith.index_cast %get3A_345 : i32 to index
        %get3A_347 = arith.index_cast %multiple_of3A : i32 to index
        %get3A_348 = tpu.vector_load %arg5[%get3A_346, %get3A_347] {strides = array<i32>} : memref<16x1024xf32, #tpu.memory_space<vmem>>, vector<16xf32>,
        %add3A_349 = arith.addf %scan3A_312, %get3A_348 : vector<16xf32>
        %get3A_350 = arith.constant 5 : i32
        %get3A_351 = arith.index_cast %get3A_350 : i32 to index
        %get3A_352 = arith.index_cast %multiple_of3A : i32 to index
        %get3A_353 = tpu.vector_load %arg5[%get3A_351, %get3A_352] {strides = array<i32>} : memref<16x1024xf32, #tpu.memory_space<vmem>>, vector<16xf32>,
        %add3A_354 = arith.addf %scan3A_313, %get3A_353 : vector<16xf32>
        %get3A_355 = arith.constant 6 : i32
        %get3A_356 = arith.index_cast %get3A_355 : i32 to index
        %get3A_357 = arith.index_cast %multiple_of3A : i32 to index
        %get3A_358 = tpu.vector_load %arg5[%get3A_356, %get3A_357] {strides = array<i32>} : memref<16x1024xf32, #tpu.memory_space<vmem>>, vector<16xf32>,
        %add3A_359 = arith.addf %scan3A_314, %get3A_358 : vector<16xf32>
        %get3A_360 = arith.constant 7 : i32
        %get3A_361 = arith.index_cast %get3A_360 : i32 to index
        %get3A_362 = arith.index_cast %multiple_of3A : i32 to index
        %get3A_363 = tpu.vector_load %arg5[%get3A_361, %get3A_362] {strides = array<i32>} : memref<16x1024xf32, #tpu.memory_space<vmem>>, vector<16xf32>,
        %add3A_364 = arith.addf %scan3A_315, %get3A_363 : vector<16xf32>
        %get3A_365 = arith.constant 8 : i32
        %get3A_366 = arith.index_cast %get3A_365 : i32 to index
        %get3A_367 = arith.index_cast %multiple_of3A : i32 to index
        %get3A_368 = tpu.vector_load %arg5[%get3A_366, %get3A_367] {strides = array<i32>} : memref<16x1024xf32, #tpu.memory_space<vmem>>, vector<16xf32>,
        %add3A_369 = arith.addf %scan3A_316, %get3A_368 : vector<16xf32>
        %get3A_370 = arith.constant 9 : i32
        %get3A_371 = arith.index_cast %get3A_370 : i32 to index
        %get3A_372 = arith.index_cast %multiple_of3A : i32 to index
        %get3A_373 = tpu.vector_load %arg5[%get3A_371, %get3A_372] {strides = array<i32>} : memref<16x1024xf32, #tpu.memory_space<vmem>>, vector<16xf32>,
        %add3A_374 = arith.addf %scan3A_317, %get3A_373 : vector<16xf32>
        %get3A_375 = arith.constant 10 : i32
        %get3A_376 = arith.index_cast %get3A_375 : i32 to index
        %get3A_377 = arith.index_cast %multiple_of3A : i32 to index
        %get3A_378 = tpu.vector_load %arg5[%get3A_376, %get3A_377] {strides = array<i32>} : memref<16x1024xf32, #tpu.memory_space<vmem>>, vector<16xf32>,
        %add3A_379 = arith.addf %scan3A_318, %get3A_378 : vector<16xf32>
        %get3A_380 = arith.constant 11 : i32
        %get3A_381 = arith.index_cast %get3A_380 : i32 to index
        %get3A_382 = arith.index_cast %multiple_of3A : i32 to index
        %get3A_383 = tpu.vector_load %arg5[%get3A_381, %get3A_382] {strides = array<i32>} : memref<16x1024xf32, #tpu.memory_space<vmem>>, vector<16xf32>,
        %add3A_384 = arith.addf %scan3A_319, %get3A_383 : vector<16xf32>
        %get3A_385 = arith.constant 12 : i32
        %get3A_386 = arith.index_cast %get3A_385 : i32 to index
        %get3A_387 = arith.index_cast %multiple_of3A : i32 to index
        %get3A_388 = tpu.vector_load %arg5[%get3A_386, %get3A_387] {strides = array<i32>} : memref<16x1024xf32, #tpu.memory_space<vmem>>, vector<16xf32>,
        %add3A_389 = arith.addf %scan3A_320, %get3A_388 : vector<16xf32>
        %get3A_390 = arith.constant 13 : i32
        %get3A_391 = arith.index_cast %get3A_390 : i32 to index
        %get3A_392 = arith.index_cast %multiple_of3A : i32 to index
        %get3A_393 = tpu.vector_load %arg5[%get3A_391, %get3A_392] {strides = array<i32>} : memref<16x1024xf32, #tpu.memory_space<vmem>>, vector<16xf32>,
        %add3A_394 = arith.addf %scan3A_321, %get3A_393 : vector<16xf32>
        %get3A_395 = arith.constant 14 : i32
        %get3A_396 = arith.index_cast %get3A_395 : i32 to index
        %get3A_397 = arith.index_cast %multiple_of3A : i32 to index
        %get3A_398 = tpu.vector_load %arg5[%get3A_396, %get3A_397] {strides = array<i32>} : memref<16x1024xf32, #tpu.memory_space<vmem>>, vector<16xf32>,
        %add3A_399 = arith.addf %scan3A_322, %get3A_398 : vector<16xf32>
        %get3A_400 = arith.constant 15 : i32
        %get3A_401 = arith.index_cast %get3A_400 : i32 to index
        %get3A_402 = arith.index_cast %multiple_of3A : i32 to index
        %get3A_403 = tpu.vector_load %arg5[%get3A_401, %get3A_402] {strides = array<i32>} : memref<16x1024xf32, #tpu.memory_space<vmem>>, vector<16xf32>,
        %add3A_404 = arith.addf %scan3A_323, %get3A_403 : vector<16xf32>
        scf.yield %add3A_329, %add3A_334, %add3A_339, %add3A_344, %add3A_349, %add3A_354, %add3A_359, %add3A_364, %add3A_369, %add3A_374, %add3A_379, %add3A_384, %add3A_389, %add3A_394, %add3A_399, %add3A_404 : vector<16xf32>, vector<16xf32>, vector<16xf32>, vector<16xf32>, vector<16xf32>, vector<16xf32>, vector<16xf32>, vector<16xf32>, vector<16xf32>, vector<16xf32>, vector<16xf32>, vector<16xf32>, vector<16xf32>, vector<16xf32>, vector<16xf32>, vector<16xf32>
      }
      %scan3A_160 = arith.constant 64 : i32
      %iota3A = tpu.iota {dimensions = array<i32: 0>} : vector<16xi32>
      %broadcast_in_dim3A_161 = arith.constant 0.000000e+00 : f32
      %broadcast_in_dim3A_162 = vector.broadcast %broadcast_in_dim3A_161 : f32 to vector<16xf32>
      %eq3A = arith.constant 0 : i32
      %eq3A_163 = vector.broadcast %eq3A : i32 to vector<16xi32>
      %eq3A_164 = arith.cmpi eq, %iota3A, %eq3A_163 : vector<16xi32>
      %reduce_sum3A = arith.constant true
      %reduce_sum3A_165 = vector.broadcast %reduce_sum3A : i1 to vector<16xi1>
      %reduce_sum3A_166 = tpu.scan <sum>, %scan3A_159#0 masked %reduce_sum3A_165 : vector<16xf32>, vector<16xi1> -> vector<16xf32>
      %reduce_sum3A_167 = vector.extract %reduce_sum3A_166[15] : f32 from vector<16xf32>
      %broadcast_in_dim3A_168 = vector.broadcast %reduce_sum3A_167 : f32 to vector<16xf32>
      %select_n3A = arith.select %eq3A_164, %broadcast_in_dim3A_168, %broadcast_in_dim3A_162 : vector<16xi1>, vector<16xf32>
      %eq3A_169 = arith.constant 1 : i32
      %eq3A_170 = vector.broadcast %eq3A_169 : i32 to vector<16xi32>
      %eq3A_171 = arith.cmpi eq, %iota3A, %eq3A_170 : vector<16xi32>
      %reduce_sum3A_172 = arith.constant true
      %reduce_sum3A_173 = vector.broadcast %reduce_sum3A_172 : i1 to vector<16xi1>
      %reduce_sum3A_174 = tpu.scan <sum>, %scan3A_159#1 masked %reduce_sum3A_173 : vector<16xf32>, vector<16xi1> -> vector<16xf32>
      %reduce_sum3A_175 = vector.extract %reduce_sum3A_174[15] : f32 from vector<16xf32>
      %broadcast_in_dim3A_176 = vector.broadcast %reduce_sum3A_175 : f32 to vector<16xf32>
      %select_n3A_177 = arith.select %eq3A_171, %broadcast_in_dim3A_176, %select_n3A : vector<16xi1>, vector<16xf32>
      %eq3A_178 = arith.constant 2 : i32
      %eq3A_179 = vector.broadcast %eq3A_178 : i32 to vector<16xi32>
      %eq3A_180 = arith.cmpi eq, %iota3A, %eq3A_179 : vector<16xi32>
      %reduce_sum3A_181 = arith.constant true
      %reduce_sum3A_182 = vector.broadcast %reduce_sum3A_181 : i1 to vector<16xi1>
      %reduce_sum3A_183 = tpu.scan <sum>, %scan3A_159#2 masked %reduce_sum3A_182 : vector<16xf32>, vector<16xi1> -> vector<16xf32>
      %reduce_sum3A_184 = vector.extract %reduce_sum3A_183[15] : f32 from vector<16xf32>
      %broadcast_in_dim3A_185 = vector.broadcast %reduce_sum3A_184 : f32 to vector<16xf32>
      %select_n3A_186 = arith.select %eq3A_180, %broadcast_in_dim3A_185, %select_n3A_177 : vector<16xi1>, vector<16xf32>
      %eq3A_187 = arith.constant 3 : i32
      %eq3A_188 = vector.broadcast %eq3A_187 : i32 to vector<16xi32>
      %eq3A_189 = arith.cmpi eq, %iota3A, %eq3A_188 : vector<16xi32>
      %reduce_sum3A_190 = arith.constant true
      %reduce_sum3A_191 = vector.broadcast %reduce_sum3A_190 : i1 to vector<16xi1>
      %reduce_sum3A_192 = tpu.scan <sum>, %scan3A_159#3 masked %reduce_sum3A_191 : vector<16xf32>, vector<16xi1> -> vector<16xf32>
      %reduce_sum3A_193 = vector.extract %reduce_sum3A_192[15] : f32 from vector<16xf32>
      %broadcast_in_dim3A_194 = vector.broadcast %reduce_sum3A_193 : f32 to vector<16xf32>
      %select_n3A_195 = arith.select %eq3A_189, %broadcast_in_dim3A_194, %select_n3A_186 : vector<16xi1>, vector<16xf32>
      %eq3A_196 = arith.constant 4 : i32
      %eq3A_197 = vector.broadcast %eq3A_196 : i32 to vector<16xi32>
      %eq3A_198 = arith.cmpi eq, %iota3A, %eq3A_197 : vector<16xi32>
      %reduce_sum3A_199 = arith.constant true
      %reduce_sum3A_200 = vector.broadcast %reduce_sum3A_199 : i1 to vector<16xi1>
      %reduce_sum3A_201 = tpu.scan <sum>, %scan3A_159#4 masked %reduce_sum3A_200 : vector<16xf32>, vector<16xi1> -> vector<16xf32>
      %reduce_sum3A_202 = vector.extract %reduce_sum3A_201[15] : f32 from vector<16xf32>
      %broadcast_in_dim3A_203 = vector.broadcast %reduce_sum3A_202 : f32 to vector<16xf32>
      %select_n3A_204 = arith.select %eq3A_198, %broadcast_in_dim3A_203, %select_n3A_195 : vector<16xi1>, vector<16xf32>
      %eq3A_205 = arith.constant 5 : i32
      %eq3A_206 = vector.broadcast %eq3A_205 : i32 to vector<16xi32>
      %eq3A_207 = arith.cmpi eq, %iota3A, %eq3A_206 : vector<16xi32>
      %reduce_sum3A_208 = arith.constant true
      %reduce_sum3A_209 = vector.broadcast %reduce_sum3A_208 : i1 to vector<16xi1>
      %reduce_sum3A_210 = tpu.scan <sum>, %scan3A_159#5 masked %reduce_sum3A_209 : vector<16xf32>, vector<16xi1> -> vector<16xf32>
      %reduce_sum3A_211 = vector.extract %reduce_sum3A_210[15] : f32 from vector<16xf32>
      %broadcast_in_dim3A_212 = vector.broadcast %reduce_sum3A_211 : f32 to vector<16xf32>
      %select_n3A_213 = arith.select %eq3A_207, %broadcast_in_dim3A_212, %select_n3A_204 : vector<16xi1>, vector<16xf32>
      %eq3A_214 = arith.constant 6 : i32
      %eq3A_215 = vector.broadcast %eq3A_214 : i32 to vector<16xi32>
      %eq3A_216 = arith.cmpi eq, %iota3A, %eq3A_215 : vector<16xi32>
      %reduce_sum3A_217 = arith.constant true
      %reduce_sum3A_218 = vector.broadcast %reduce_sum3A_217 : i1 to vector<16xi1>
      %reduce_sum3A_219 = tpu.scan <sum>, %scan3A_159#6 masked %reduce_sum3A_218 : vector<16xf32>, vector<16xi1> -> vector<16xf32>
      %reduce_sum3A_220 = vector.extract %reduce_sum3A_219[15] : f32 from vector<16xf32>
      %broadcast_in_dim3A_221 = vector.broadcast %reduce_sum3A_220 : f32 to vector<16xf32>
      %select_n3A_222 = arith.select %eq3A_216, %broadcast_in_dim3A_221, %select_n3A_213 : vector<16xi1>, vector<16xf32>
      %eq3A_223 = arith.constant 7 : i32
      %eq3A_224 = vector.broadcast %eq3A_223 : i32 to vector<16xi32>
      %eq3A_225 = arith.cmpi eq, %iota3A, %eq3A_224 : vector<16xi32>
      %reduce_sum3A_226 = arith.constant true
      %reduce_sum3A_227 = vector.broadcast %reduce_sum3A_226 : i1 to vector<16xi1>
      %reduce_sum3A_228 = tpu.scan <sum>, %scan3A_159#7 masked %reduce_sum3A_227 : vector<16xf32>, vector<16xi1> -> vector<16xf32>
      %reduce_sum3A_229 = vector.extract %reduce_sum3A_228[15] : f32 from vector<16xf32>
      %broadcast_in_dim3A_230 = vector.broadcast %reduce_sum3A_229 : f32 to vector<16xf32>
      %select_n3A_231 = arith.select %eq3A_225, %broadcast_in_dim3A_230, %select_n3A_222 : vector<16xi1>, vector<16xf32>
      %eq3A_232 = arith.constant 8 : i32
      %eq3A_233 = vector.broadcast %eq3A_232 : i32 to vector<16xi32>
      %eq3A_234 = arith.cmpi eq, %iota3A, %eq3A_233 : vector<16xi32>
      %reduce_sum3A_235 = arith.constant true
      %reduce_sum3A_236 = vector.broadcast %reduce_sum3A_235 : i1 to vector<16xi1>
      %reduce_sum3A_237 = tpu.scan <sum>, %scan3A_159#8 masked %reduce_sum3A_236 : vector<16xf32>, vector<16xi1> -> vector<16xf32>
      %reduce_sum3A_238 = vector.extract %reduce_sum3A_237[15] : f32 from vector<16xf32>
      %broadcast_in_dim3A_239 = vector.broadcast %reduce_sum3A_238 : f32 to vector<16xf32>
      %select_n3A_240 = arith.select %eq3A_234, %broadcast_in_dim3A_239, %select_n3A_231 : vector<16xi1>, vector<16xf32>
      %eq3A_241 = arith.constant 9 : i32
      %eq3A_242 = vector.broadcast %eq3A_241 : i32 to vector<16xi32>
      %eq3A_243 = arith.cmpi eq, %iota3A, %eq3A_242 : vector<16xi32>
      %reduce_sum3A_244 = arith.constant true
      %reduce_sum3A_245 = vector.broadcast %reduce_sum3A_244 : i1 to vector<16xi1>
      %reduce_sum3A_246 = tpu.scan <sum>, %scan3A_159#9 masked %reduce_sum3A_245 : vector<16xf32>, vector<16xi1> -> vector<16xf32>
      %reduce_sum3A_247 = vector.extract %reduce_sum3A_246[15] : f32 from vector<16xf32>
      %broadcast_in_dim3A_248 = vector.broadcast %reduce_sum3A_247 : f32 to vector<16xf32>
      %select_n3A_249 = arith.select %eq3A_243, %broadcast_in_dim3A_248, %select_n3A_240 : vector<16xi1>, vector<16xf32>
      %eq3A_250 = arith.constant 10 : i32
      %eq3A_251 = vector.broadcast %eq3A_250 : i32 to vector<16xi32>
      %eq3A_252 = arith.cmpi eq, %iota3A, %eq3A_251 : vector<16xi32>
      %reduce_sum3A_253 = arith.constant true
      %reduce_sum3A_254 = vector.broadcast %reduce_sum3A_253 : i1 to vector<16xi1>
      %reduce_sum3A_255 = tpu.scan <sum>, %scan3A_159#10 masked %reduce_sum3A_254 : vector<16xf32>, vector<16xi1> -> vector<16xf32>
      %reduce_sum3A_256 = vector.extract %reduce_sum3A_255[15] : f32 from vector<16xf32>
      %broadcast_in_dim3A_257 = vector.broadcast %reduce_sum3A_256 : f32 to vector<16xf32>
      %select_n3A_258 = arith.select %eq3A_252, %broadcast_in_dim3A_257, %select_n3A_249 : vector<16xi1>, vector<16xf32>
      %eq3A_259 = arith.constant 11 : i32
      %eq3A_260 = vector.broadcast %eq3A_259 : i32 to vector<16xi32>
      %eq3A_261 = arith.cmpi eq, %iota3A, %eq3A_260 : vector<16xi32>
      %reduce_sum3A_262 = arith.constant true
      %reduce_sum3A_263 = vector.broadcast %reduce_sum3A_262 : i1 to vector<16xi1>
      %reduce_sum3A_264 = tpu.scan <sum>, %scan3A_159#11 masked %reduce_sum3A_263 : vector<16xf32>, vector<16xi1> -> vector<16xf32>
      %reduce_sum3A_265 = vector.extract %reduce_sum3A_264[15] : f32 from vector<16xf32>
      %broadcast_in_dim3A_266 = vector.broadcast %reduce_sum3A_265 : f32 to vector<16xf32>
      %select_n3A_267 = arith.select %eq3A_261, %broadcast_in_dim3A_266, %select_n3A_258 : vector<16xi1>, vector<16xf32>
      %eq3A_268 = arith.constant 12 : i32
      %eq3A_269 = vector.broadcast %eq3A_268 : i32 to vector<16xi32>
      %eq3A_270 = arith.cmpi eq, %iota3A, %eq3A_269 : vector<16xi32>
      %reduce_sum3A_271 = arith.constant true
      %reduce_sum3A_272 = vector.broadcast %reduce_sum3A_271 : i1 to vector<16xi1>
      %reduce_sum3A_273 = tpu.scan <sum>, %scan3A_159#12 masked %reduce_sum3A_272 : vector<16xf32>, vector<16xi1> -> vector<16xf32>
      %reduce_sum3A_274 = vector.extract %reduce_sum3A_273[15] : f32 from vector<16xf32>
      %broadcast_in_dim3A_275 = vector.broadcast %reduce_sum3A_274 : f32 to vector<16xf32>
      %select_n3A_276 = arith.select %eq3A_270, %broadcast_in_dim3A_275, %select_n3A_267 : vector<16xi1>, vector<16xf32>
      %eq3A_277 = arith.constant 13 : i32
      %eq3A_278 = vector.broadcast %eq3A_277 : i32 to vector<16xi32>
      %eq3A_279 = arith.cmpi eq, %iota3A, %eq3A_278 : vector<16xi32>
      %reduce_sum3A_280 = arith.constant true
      %reduce_sum3A_281 = vector.broadcast %reduce_sum3A_280 : i1 to vector<16xi1>
      %reduce_sum3A_282 = tpu.scan <sum>, %scan3A_159#13 masked %reduce_sum3A_281 : vector<16xf32>, vector<16xi1> -> vector<16xf32>
      %reduce_sum3A_283 = vector.extract %reduce_sum3A_282[15] : f32 from vector<16xf32>
      %broadcast_in_dim3A_284 = vector.broadcast %reduce_sum3A_283 : f32 to vector<16xf32>
      %select_n3A_285 = arith.select %eq3A_279, %broadcast_in_dim3A_284, %select_n3A_276 : vector<16xi1>, vector<16xf32>
      %eq3A_286 = arith.constant 14 : i32
      %eq3A_287 = vector.broadcast %eq3A_286 : i32 to vector<16xi32>
      %eq3A_288 = arith.cmpi eq, %iota3A, %eq3A_287 : vector<16xi32>
      %reduce_sum3A_289 = arith.constant true
      %reduce_sum3A_290 = vector.broadcast %reduce_sum3A_289 : i1 to vector<16xi1>
      %reduce_sum3A_291 = tpu.scan <sum>, %scan3A_159#14 masked %reduce_sum3A_290 : vector<16xf32>, vector<16xi1> -> vector<16xf32>
      %reduce_sum3A_292 = vector.extract %reduce_sum3A_291[15] : f32 from vector<16xf32>
      %broadcast_in_dim3A_293 = vector.broadcast %reduce_sum3A_292 : f32 to vector<16xf32>
      %select_n3A_294 = arith.select %eq3A_288, %broadcast_in_dim3A_293, %select_n3A_285 : vector<16xi1>, vector<16xf32>
      %eq3A_295 = arith.constant 15 : i32
      %eq3A_296 = vector.broadcast %eq3A_295 : i32 to vector<16xi32>
      %eq3A_297 = arith.cmpi eq, %iota3A, %eq3A_296 : vector<16xi32>
      %reduce_sum3A_298 = arith.constant true
      %reduce_sum3A_299 = vector.broadcast %reduce_sum3A_298 : i1 to vector<16xi1>
      %reduce_sum3A_300 = tpu.scan <sum>, %scan3A_159#15 masked %reduce_sum3A_299 : vector<16xf32>, vector<16xi1> -> vector<16xf32>
      %reduce_sum3A_301 = vector.extract %reduce_sum3A_300[15] : f32 from vector<16xf32>
      %broadcast_in_dim3A_302 = vector.broadcast %reduce_sum3A_301 : f32 to vector<16xf32>
      %select_n3A_303 = arith.select %eq3A_297, %broadcast_in_dim3A_302, %select_n3A_294 : vector<16xi1>, vector<16xf32>
      %swap3A = arith.constant 0 : index
      %swap3A_304 = tpu.vector_load %arg6[%swap3A] {strides = array<i32>} : memref<16xf32, #tpu.memory_space<vmem>>, vector<16xf32>,
      tpu.vector_store %arg6[%swap3A], %select_n3A_303 {strides = array<i32>} : memref<16xf32, #tpu.memory_space<vmem>>, vector<16xf32>,
      %mul3A_305 = arith.constant 16 : i32
      %mul3A_306 = arith.muli %add3A, %mul3A_305 : i32
      "tpu.region"() ({
        %run_scoped3A = tpu.sem_alloc : memref<!tpu.dma_semaphore, #tpu.memory_space<semaphore_mem>>
        %dma_start3A_307 = tpu.memref_slice %arg3[%mul3A_306] : memref<400xf32, #tpu.memory_space<hbm>> -> memref<16xf32, #tpu.memory_space<hbm>>
        %dma_start3A_308 = tpu.memref_slice %arg3[%mul3A_306] : memref<400xf32, #tpu.memory_space<hbm>> -> memref<16xf32, #tpu.memory_space<hbm>>
        tpu.enqueue_dma source(%arg6 : memref<16xf32, #tpu.memory_space<vmem>>) target(%dma_start3A_308 : memref<16xf32, #tpu.memory_space<hbm>>) target_semaphore(%run_scoped3A : memref<!tpu.dma_semaphore, #tpu.memory_space<semaphore_mem>>)
        %dma_wait3A_309 = tpu.memref_slice %arg3[%mul3A_306] : memref<400xf32, #tpu.memory_space<hbm>> -> memref<16xf32, #tpu.memory_space<hbm>>
        %dma_wait3A_310 = tpu.memref_slice %arg3[%mul3A_306] : memref<400xf32, #tpu.memory_space<hbm>> -> memref<16xf32, #tpu.memory_space<hbm>>
        tpu.wait_dma2 semaphore(%run_scoped3A : memref<!tpu.dma_semaphore, #tpu.memory_space<semaphore_mem>>) src(%arg6 : memref<16xf32, #tpu.memory_space<vmem>>) dst(%dma_wait3A_310 : memref<16xf32, #tpu.memory_space<hbm>>)
        tpu.yield
      }) : () -> ()
    } else {
    }
    return
  }
}

module attributes {stable_mosaic.version = 14 : i64} {
  func.func @_tc_partial_body(%arg0: i32, %arg1: memref<16x11520xf32, #tpu.memory_space<vmem>>, %arg2: memref<1000x128xf32, #tpu.memory_space<vmem>>, %arg3: memref<16x128xf32, #tpu.memory_space<vmem>>, %arg4: memref<8x128xf32, #tpu.memory_space<vmem>>, %arg5: memref<16x128xf32, #tpu.memory_space<vmem>>, %arg6: memref<8x128xf32, #tpu.memory_space<vmem>>) attributes {dimension_semantics = [#tpu.dimension_semantics<arbitrary>], iteration_bounds = array<i64: 10>, scalar_prefetch = 0 : i64, scratch_operands = 2 : i64, tpu.core_type = #tpu.core_type<tc>, window_params = [{transform_indices = @transform_0, window_bounds = array<i64: 16, 11520>}, {transform_indices = @transform_1, window_bounds = array<i64: 1000, 128>}, {pipeline_mode = #tpu.pipeline_mode<synchronous>, transform_indices = @transform_2, window_bounds = array<i64: 16, 128>}, {pipeline_mode = #tpu.pipeline_mode<synchronous>, transform_indices = @transform_3, window_bounds = array<i64: 8, 128>}]} {
    %get3A = arith.constant 0 : index
    %get3A_0 = arith.constant 0 : index
    %get3A_1 = vector.load %arg1[%get3A, %get3A_0] : memref<16x11520xf32, #tpu.memory_space<vmem>>, vector<16x11520xf32>
    %reshape3A = vector.shape_cast %get3A_1 : vector<16x11520xf32> to vector<16x90x128xf32>
    %reduce_sum3A = arith.constant dense<0.000000e+00> : vector<16x128xf32>
    %reduce_sum3A_2 = vector.multi_reduction <add>, %reshape3A, %reduce_sum3A [1] : vector<16x90x128xf32> to vector<16x128xf32>
    %get3A_3 = arith.constant 0 : index
    %get3A_4 = arith.constant 0 : index
    %get3A_5 = vector.load %arg2[%get3A_3, %get3A_4] : memref<1000x128xf32, #tpu.memory_space<vmem>>, vector<1000x128xf32>
    %reduce_sum3A_6 = arith.constant dense<0.000000e+00> : vector<128xf32>
    %reduce_sum3A_7 = vector.multi_reduction <add>, %get3A_5, %reduce_sum3A_6 [0] : vector<1000x128xf32> to vector<128xf32>
    %broadcast_in_dim3A = vector.shape_cast %reduce_sum3A_7 : vector<128xf32> to vector<1x128xf32>
    %eq3A = arith.constant 0 : i32
    %eq3A_8 = arith.cmpi eq, %arg0, %eq3A : i32
    %convert_element_type3A = arith.extui %eq3A_8 : i1 to i32
    %cond3A = arith.constant 0 : i32
    %cond3A_9 = arith.cmpi ne, %convert_element_type3A, %cond3A : i32
    scf.if %cond3A_9 {
      %swap3A = arith.constant 0 : index
      %swap3A_19 = arith.constant 0 : index
      %swap3A_20 = vector.load %arg5[%swap3A, %swap3A_19] : memref<16x128xf32, #tpu.memory_space<vmem>>, vector<16x128xf32>
      tpu.vector_store %arg5[%swap3A, %swap3A_19], %reduce_sum3A_2 {strides = array<i32>} : memref<16x128xf32, #tpu.memory_space<vmem>>, vector<16x128xf32>,
      %swap3A_21 = arith.constant 0 : index
      %swap3A_22 = arith.constant 0 : index
      %swap3A_23 = vector.load %arg6[%swap3A_21, %swap3A_22] : memref<8x128xf32, #tpu.memory_space<vmem>>, vector<1x128xf32>
      tpu.vector_store %arg6[%swap3A_21, %swap3A_22], %broadcast_in_dim3A {strides = array<i32>} : memref<8x128xf32, #tpu.memory_space<vmem>>, vector<1x128xf32>,
    } else {
    }
    %gt3A = arith.constant 0 : i32
    %gt3A_10 = arith.cmpi sgt, %arg0, %gt3A : i32
    %convert_element_type3A_11 = arith.extui %gt3A_10 : i1 to i32
    %cond3A_12 = arith.constant 0 : i32
    %cond3A_13 = arith.cmpi ne, %convert_element_type3A_11, %cond3A_12 : i32
    scf.if %cond3A_13 {
      %get3A_19 = arith.constant 0 : index
      %get3A_20 = arith.constant 0 : index
      %get3A_21 = vector.load %arg5[%get3A_19, %get3A_20] : memref<16x128xf32, #tpu.memory_space<vmem>>, vector<16x128xf32>
      %add3A = arith.addf %get3A_21, %reduce_sum3A_2 : vector<16x128xf32>
      %swap3A = arith.constant 0 : index
      %swap3A_22 = arith.constant 0 : index
      %swap3A_23 = vector.load %arg5[%swap3A, %swap3A_22] : memref<16x128xf32, #tpu.memory_space<vmem>>, vector<16x128xf32>
      tpu.vector_store %arg5[%swap3A, %swap3A_22], %add3A {strides = array<i32>} : memref<16x128xf32, #tpu.memory_space<vmem>>, vector<16x128xf32>,
      %get3A_24 = arith.constant 0 : index
      %get3A_25 = arith.constant 0 : index
      %get3A_26 = vector.load %arg6[%get3A_24, %get3A_25] : memref<8x128xf32, #tpu.memory_space<vmem>>, vector<1x128xf32>
      %add3A_27 = arith.addf %get3A_26, %broadcast_in_dim3A : vector<1x128xf32>
      %swap3A_28 = arith.constant 0 : index
      %swap3A_29 = arith.constant 0 : index
      %swap3A_30 = vector.load %arg6[%swap3A_28, %swap3A_29] : memref<8x128xf32, #tpu.memory_space<vmem>>, vector<1x128xf32>
      tpu.vector_store %arg6[%swap3A_28, %swap3A_29], %add3A_27 {strides = array<i32>} : memref<8x128xf32, #tpu.memory_space<vmem>>, vector<1x128xf32>,
    } else {
    }
    %eq3A_14 = arith.constant 9 : i32
    %eq3A_15 = arith.cmpi eq, %arg0, %eq3A_14 : i32
    %convert_element_type3A_16 = arith.extui %eq3A_15 : i1 to i32
    %cond3A_17 = arith.constant 0 : i32
    %cond3A_18 = arith.cmpi ne, %convert_element_type3A_16, %cond3A_17 : i32
    scf.if %cond3A_18 {
      %get3A_19 = arith.constant 0 : index
      %get3A_20 = arith.constant 0 : index
      %get3A_21 = vector.load %arg5[%get3A_19, %get3A_20] : memref<16x128xf32, #tpu.memory_space<vmem>>, vector<16x128xf32>
      %swap3A = arith.constant 0 : index
      %swap3A_22 = arith.constant 0 : index
      %swap3A_23 = vector.load %arg3[%swap3A, %swap3A_22] : memref<16x128xf32, #tpu.memory_space<vmem>>, vector<16x128xf32>
      tpu.vector_store %arg3[%swap3A, %swap3A_22], %get3A_21 {strides = array<i32>} : memref<16x128xf32, #tpu.memory_space<vmem>>, vector<16x128xf32>,
      %get3A_24 = arith.constant 0 : index
      %get3A_25 = arith.constant 0 : index
      %get3A_26 = vector.load %arg6[%get3A_24, %get3A_25] : memref<8x128xf32, #tpu.memory_space<vmem>>, vector<8x128xf32>
      %swap3A_27 = arith.constant 0 : index
      %swap3A_28 = arith.constant 0 : index
      %swap3A_29 = vector.load %arg4[%swap3A_27, %swap3A_28] : memref<8x128xf32, #tpu.memory_space<vmem>>, vector<8x128xf32>
      tpu.vector_store %arg4[%swap3A_27, %swap3A_28], %get3A_26 {strides = array<i32>} : memref<8x128xf32, #tpu.memory_space<vmem>>, vector<8x128xf32>,
    } else {
    }
    return
  }
  func.func @transform_0(%arg0: i32) -> (i32, i32) {
    %c0_i32 = arith.constant 0 : i32
    %c0_i32_0 = arith.constant 0 : i32
    return %c0_i32, %arg0 : i32, i32
  }
  func.func @transform_1(%arg0: i32) -> (i32, i32) {
    %c0_i32 = arith.constant 0 : i32
    %c0_i32_0 = arith.constant 0 : i32
    return %arg0, %c0_i32 : i32, i32
  }
  func.func @transform_2(%arg0: i32) -> (i32, i32) {
    %c0_i32 = arith.constant 0 : i32
    %c0_i32_0 = arith.constant 0 : i32
    %c0_i32_1 = arith.constant 0 : i32
    return %c0_i32, %c0_i32_0 : i32, i32
  }
  func.func @transform_3(%arg0: i32) -> (i32, i32) {
    %c0_i32 = arith.constant 0 : i32
    %c0_i32_0 = arith.constant 0 : i32
    %c0_i32_1 = arith.constant 0 : i32
    return %c0_i32, %c0_i32_0 : i32, i32
  }
}

module attributes {stable_mosaic.version = 14 : i64} {
  func.func @_combine_body(%arg0: i32, %arg1: memref<1x400xf32, #tpu.memory_space<vmem>>, %arg2: memref<16x128xf32, #tpu.memory_space<vmem>>, %arg3: memref<8x128xf32, #tpu.memory_space<vmem>>, %arg4: memref<1x128xf32, #tpu.memory_space<vmem>>, %arg5: memref<272x32xf32, #tpu.memory_space<vmem>>, %arg6: memref<32xf32, #tpu.memory_space<vmem>>, %arg7: memref<32x128xf32, #tpu.memory_space<vmem>>, %arg8: memref<128xf32, #tpu.memory_space<vmem>>, %arg9: memref<1x128xf32, #tpu.memory_space<vmem>>) attributes {dimension_semantics = [#tpu.dimension_semantics<arbitrary>], iteration_bounds = array<i64: 1>, scalar_prefetch = 0 : i64, scratch_operands = 0 : i64, tpu.core_type = #tpu.core_type<tc>, window_params = [{pipeline_mode = #tpu.pipeline_mode<synchronous>, transform_indices = @transform_0, window_bounds = array<i64: 1, 400>}, {pipeline_mode = #tpu.pipeline_mode<synchronous>, transform_indices = @transform_1, window_bounds = array<i64: 16, 128>}, {pipeline_mode = #tpu.pipeline_mode<synchronous>, transform_indices = @transform_2, window_bounds = array<i64: 8, 128>}, {pipeline_mode = #tpu.pipeline_mode<synchronous>, transform_indices = @transform_3, window_bounds = array<i64: 1, 128>}, {pipeline_mode = #tpu.pipeline_mode<synchronous>, transform_indices = @transform_4, window_bounds = array<i64: 272, 32>}, {pipeline_mode = #tpu.pipeline_mode<synchronous>, transform_indices = @transform_5, window_bounds = array<i64: 32>}, {pipeline_mode = #tpu.pipeline_mode<synchronous>, transform_indices = @transform_6, window_bounds = array<i64: 32, 128>}, {pipeline_mode = #tpu.pipeline_mode<synchronous>, transform_indices = @transform_7, window_bounds = array<i64: 128>}, {pipeline_mode = #tpu.pipeline_mode<synchronous>, transform_indices = @transform_8, window_bounds = array<i64: 1, 128>}]} {
    %get3A = arith.constant 0 : index
    %get3A_0 = arith.constant 0 : index
    %get3A_1 = vector.load %arg1[%get3A, %get3A_0] : memref<1x400xf32, #tpu.memory_space<vmem>>, vector<1x400xf32>
    %reshape3A = vector.shape_cast %get3A_1 : vector<1x400xf32> to vector<1x25x16xf32>
    %reduce_sum3A = arith.constant dense<0.000000e+00> : vector<1x16xf32>
    %reduce_sum3A_2 = vector.multi_reduction <add>, %reshape3A, %reduce_sum3A [1] : vector<1x25x16xf32> to vector<1x16xf32>
    %mul3A = arith.constant 3.125000e-06 : f32
    %mul3A_3 = vector.broadcast %mul3A : f32 to vector<1x16xf32>
    %mul3A_4 = arith.mulf %reduce_sum3A_2, %mul3A_3 : vector<1x16xf32>
    %get3A_5 = arith.constant 0 : index
    %get3A_6 = arith.constant 0 : index
    %get3A_7 = vector.load %arg2[%get3A_5, %get3A_6] : memref<16x128xf32, #tpu.memory_space<vmem>>, vector<16x128xf32>
    %reduce_sum3A_8 = arith.constant dense<0.000000e+00> : vector<16xf32>
    %reduce_sum3A_9 = vector.multi_reduction <add>, %get3A_7, %reduce_sum3A_8 [1] : vector<16x128xf32> to vector<16xf32>
    %broadcast_in_dim3A = vector.shape_cast %reduce_sum3A_9 : vector<16xf32> to vector<16x1xf32>
    %mul3A_10 = arith.constant 3.125000e-06 : f32
    %mul3A_11 = vector.broadcast %mul3A_10 : f32 to vector<16x1xf32>
    %mul3A_12 = arith.mulf %broadcast_in_dim3A, %mul3A_11 : vector<16x1xf32>
    %get3A_13 = arith.constant 0 : index
    %get3A_14 = arith.constant 0 : index
    %get3A_15 = vector.load %arg3[%get3A_13, %get3A_14] : memref<8x128xf32, #tpu.memory_space<vmem>>, vector<1x128xf32>
    %mul3A_16 = arith.constant 9.99999974E-5 : f32
    %mul3A_17 = vector.broadcast %mul3A_16 : f32 to vector<1x128xf32>
    %mul3A_18 = arith.mulf %get3A_15, %mul3A_17 : vector<1x128xf32>
    %get3A_19 = arith.constant 0 : index
    %get3A_20 = arith.constant 0 : index
    %get3A_21 = vector.load %arg5[%get3A_19, %get3A_20] : memref<272x32xf32, #tpu.memory_space<vmem>>, vector<128x32xf32>
    %get3A_22 = arith.constant 128 : index
    %get3A_23 = arith.constant 0 : index
    %get3A_24 = vector.load %arg5[%get3A_22, %get3A_23] : memref<272x32xf32, #tpu.memory_space<vmem>>, vector<16x32xf32>
    %get3A_25 = arith.constant 144 : index
    %get3A_26 = arith.constant 0 : index
    %get3A_27 = vector.load %arg5[%get3A_25, %get3A_26] : memref<272x32xf32, #tpu.memory_space<vmem>>, vector<128x32xf32>
    %dot_general3A = arith.constant dense<0.000000e+00> : vector<1x32xf32>
    %dot_general3A_28 = tpu.matmul %mul3A_4, %get3A_24, %dot_general3A {dimension_numbers = #tpu.dot_dimension_numbers<[1], [0], [0], [1], [0, 0, 1, 1], [], []>, transpose_lhs_hint = false} : vector<1x16xf32>, vector<16x32xf32>, vector<1x32xf32> -> vector<1x32xf32>
    %dot_general3A_29 = arith.constant dense<0.000000e+00> : vector<1x32xf32>
    %dot_general3A_30 = tpu.matmul %mul3A_12, %get3A_24, %dot_general3A_29 {dimension_numbers = #tpu.dot_dimension_numbers<[0], [0], [1], [1], [0, 1, 1, 1], [], []>, transpose_lhs_hint = false} : vector<16x1xf32>, vector<16x32xf32>, vector<1x32xf32> -> vector<1x32xf32>
    %add3A = arith.addf %dot_general3A_28, %dot_general3A_30 : vector<1x32xf32>
    %get3A_31 = arith.constant 0 : index
    %get3A_32 = arith.constant 0 : index
    %get3A_33 = vector.load %arg4[%get3A_31, %get3A_32] : memref<1x128xf32, #tpu.memory_space<vmem>>, vector<1x128xf32>
    %dot_general3A_34 = arith.constant dense<0.000000e+00> : vector<1x32xf32>
    %dot_general3A_35 = tpu.matmul %get3A_33, %get3A_21, %dot_general3A_34 {dimension_numbers = #tpu.dot_dimension_numbers<[1], [0], [0], [1], [0, 0, 1, 1], [], []>, transpose_lhs_hint = false} : vector<1x128xf32>, vector<128x32xf32>, vector<1x32xf32> -> vector<1x32xf32>
    %add3A_36 = arith.addf %dot_general3A_35, %add3A : vector<1x32xf32>
    %dot_general3A_37 = arith.constant dense<0.000000e+00> : vector<1x32xf32>
    %dot_general3A_38 = tpu.matmul %mul3A_18, %get3A_27, %dot_general3A_37 {dimension_numbers = #tpu.dot_dimension_numbers<[1], [0], [0], [1], [0, 0, 1, 1], [], []>, transpose_lhs_hint = false} : vector<1x128xf32>, vector<128x32xf32>, vector<1x32xf32> -> vector<1x32xf32>
    %add3A_39 = arith.addf %add3A_36, %dot_general3A_38 : vector<1x32xf32>
    %get3A_40 = arith.constant 0 : index
    %get3A_41 = vector.load %arg6[%get3A_40] : memref<32xf32, #tpu.memory_space<vmem>>, vector<32xf32>
    %broadcast_in_dim3A_42 = vector.shape_cast %get3A_41 : vector<32xf32> to vector<1x32xf32>
    %add3A_43 = arith.addf %add3A_39, %broadcast_in_dim3A_42 : vector<1x32xf32>
    %max3A = arith.constant 0.000000e+00 : f32
    %max3A_44 = vector.broadcast %max3A : f32 to vector<1x32xf32>
    %max3A_45 = arith.maximumf %add3A_43, %max3A_44 : vector<1x32xf32>
    %get3A_46 = arith.constant 0 : index
    %get3A_47 = arith.constant 0 : index
    %get3A_48 = vector.load %arg7[%get3A_46, %get3A_47] : memref<32x128xf32, #tpu.memory_space<vmem>>, vector<32x128xf32>
    %dot_general3A_49 = arith.constant dense<0.000000e+00> : vector<1x128xf32>
    %dot_general3A_50 = tpu.matmul %max3A_45, %get3A_48, %dot_general3A_49 {dimension_numbers = #tpu.dot_dimension_numbers<[1], [0], [0], [1], [0, 0, 1, 1], [], []>, transpose_lhs_hint = false} : vector<1x32xf32>, vector<32x128xf32>, vector<1x128xf32> -> vector<1x128xf32>
    %get3A_51 = arith.constant 0 : index
    %get3A_52 = vector.load %arg8[%get3A_51] : memref<128xf32, #tpu.memory_space<vmem>>, vector<128xf32>
    %broadcast_in_dim3A_53 = vector.shape_cast %get3A_52 : vector<128xf32> to vector<1x128xf32>
    %add3A_54 = arith.addf %dot_general3A_50, %broadcast_in_dim3A_53 : vector<1x128xf32>
    %swap3A = arith.constant 0 : index
    %swap3A_55 = arith.constant 0 : index
    %swap3A_56 = vector.load %arg9[%swap3A, %swap3A_55] : memref<1x128xf32, #tpu.memory_space<vmem>>, vector<1x128xf32>
    tpu.vector_store %arg9[%swap3A, %swap3A_55], %add3A_54 {strides = array<i32>} : memref<1x128xf32, #tpu.memory_space<vmem>>, vector<1x128xf32>,
    return
  }
  func.func @transform_0(%arg0: i32) -> (i32, i32) {
    %c0_i32 = arith.constant 0 : i32
    %c0_i32_0 = arith.constant 0 : i32
    %c0_i32_1 = arith.constant 0 : i32
    return %c0_i32, %c0_i32_0 : i32, i32
  }
  func.func @transform_1(%arg0: i32) -> (i32, i32) {
    %c0_i32 = arith.constant 0 : i32
    %c0_i32_0 = arith.constant 0 : i32
    %c0_i32_1 = arith.constant 0 : i32
    return %c0_i32, %c0_i32_0 : i32, i32
  }
  func.func @transform_2(%arg0: i32) -> (i32, i32) {
    %c0_i32 = arith.constant 0 : i32
    %c0_i32_0 = arith.constant 0 : i32
    %c0_i32_1 = arith.constant 0 : i32
    return %c0_i32, %c0_i32_0 : i32, i32
  }
  func.func @transform_3(%arg0: i32) -> (i32, i32) {
    %c0_i32 = arith.constant 0 : i32
    %c0_i32_0 = arith.constant 0 : i32
    %c0_i32_1 = arith.constant 0 : i32
    return %c0_i32, %c0_i32_0 : i32, i32
  }
  func.func @transform_4(%arg0: i32) -> (i32, i32) {
    %c0_i32 = arith.constant 0 : i32
    %c0_i32_0 = arith.constant 0 : i32
    %c0_i32_1 = arith.constant 0 : i32
    return %c0_i32, %c0_i32_0 : i32, i32
  }
  func.func @transform_5(%arg0: i32) -> i32 {
    %c0_i32 = arith.constant 0 : i32
    %c0_i32_0 = arith.constant 0 : i32
    return %c0_i32 : i32
  }
  func.func @transform_6(%arg0: i32) -> (i32, i32) {
    %c0_i32 = arith.constant 0 : i32
    %c0_i32_0 = arith.constant 0 : i32
    %c0_i32_1 = arith.constant 0 : i32
    return %c0_i32, %c0_i32_0 : i32, i32
  }
  func.func @transform_7(%arg0: i32) -> i32 {
    %c0_i32 = arith.constant 0 : i32
    %c0_i32_0 = arith.constant 0 : i32
    return %c0_i32 : i32
  }
  func.func @transform_8(%arg0: i32) -> (i32, i32) {
    %c0_i32 = arith.constant 0 : i32
    %c0_i32_0 = arith.constant 0 : i32
    %c0_i32_1 = arith.constant 0 : i32
    return %c0_i32, %c0_i32_0 : i32, i32
  }
}

</mosaic_0001>

<sc_bundles>
// kernel: kernel.5.cloned.1.call-start
scs
__scs_entry_jumppad:
0x0: {  	(pc) =	sbr.rel $0x88, $3  }
0x1: {  	(tag) =	ssettag $0x0;
	lr =	simm.s32 $0x1  }
0x2: {  	[smem:$0x3F9A] =	sst lr;
	_ =	strace $0xD0000000  }
0x3: {  	_ = 	snop  }
0x4: {  	_ = 	snop  }
0x5: {  	_ = 	snop  }
0x6: {  	_ = 	snop  }
0x7: {  	_ = 	snop  }
__scs_overlays_trampoline_lowered:
0x8: {  	[smem:$0x3FA9] =	sst s0  }
0x9: {  	[smem:$0x3FAA] =	sst s1  }
0xa: {  	[smem:$0x3FAB] =	sst s2  }
0xb: {  	[smem:$0x3FAC] =	sst s3  }
0xc: {  	[smem:$0x3FAD] =	sst s4  }
0xd: {  	[smem:$0x3FAE] =	sst s5  }
0xe: {  	[smem:$0x3FAF] =	sst s6  }
0xf: {  	[smem:$0x3FB0] =	sst s7  }
0x10: {  	[smem:$0x3FB1] =	sst s8  }
0x11: {  	[smem:$0x3FB2] =	sst s9;
	s0 =	simm.s32 @!p0 $0x0  }
0x12: {  	s1 =	sld [smem:$0x3F98];
	s0 =	simm.s32 @p0 $0x1  }
0x13: {  	[smem:$0x3FB3] =	sst s0;
	s0 =	simm.s32 @!p1 $0x0  }
0x14: {  	s2 =	sld [smem:$0x3F97];
	s0 =	simm.s32 @p1 $0x1  }
0x15: {  	[smem:$0x3FB4] =	sst s0;
	s0 =	simm.s32 @!p2 $0x0  }
0x16: {  	s3 =	sld [smem:$0x3FDB];
	s0 =	simm.s32 @p2 $0x1  }
0x17: {  	s4 =	simm.s32 $0x1BF5;
	[smem:$0x3FB6] =	sst s0  }
0x18: {  	s0 =	sld [smem:$0x3F99];
	_ =	swait.ge [sflag:s4], $0x0  }
0x19: {  	s7 =	sld [smem:$0x3F9A]  }
0x1a: {  	s8 =	sadd.s32 $0xFFFFE003, lr  }
0x1b: {  	s9 =	sadd.s32 $0xFFFFFEF7, lr;
	s5 =	simm.s32 $0xFFFFFFFF;
	p2 =	slt.u32 s8, $0xFFFFF086  }
0x1c: {  	p1 =	slt.u32 s9, $0xF7A;
	s5 =	simm.s32 @!p2 $0x0  }
0x1d: {  	s5 =	simm.s32 @p1 $0x1;
	p0 =	seq.s32 s7, s2  }
0x1e: {  	s7 =	smul.u32 @!p0 $0xF7A, s2;
	p2 =	seq.s32 @!p0 s5, $0x0  }
0x1f: {  	s9 =	smul.u32 $0xF7A, s1;
	s8 =	simm.s32 @!p0 $0x1BF5;
	p2 =	por !p2, p0  }
0x20: {  	[sflag:s8] =	ssyncset.s32 @!p0 $0xFFFFF086;
	s6 =	sadd.s32 @!p0 s3, s7;
	s7 =	simm.s32 @!p0 $0x108  }
0x21: {  	s3 =	sadd.s32 s3, s9;
	s6 =	sadd.s32 @!p0 $0x88, s6;
	s7 =	simm.s32 @p2 $0x1082  }
0x22: {  	[simem:s7], [sflag:s8] =	dma.local @!p0 [hbm:s6], $0xF7A  }
0x23: {  	s9 =	sor.u32 $0xD0000000, s2;
	s6 =	simm.s32 $0x108;
	_ =	swait.ge @!p0 [sflag:s8], $0x0  }
0x24: {  	s3 =	sadd.s32 $0x88, s3;
	s6 =	simm.s32 @!p1 $0x1082;
	[sflag:s4] =	ssyncset.s32 $0xFFFFF086  }
0x25: {  	[simem:s6], [sflag:s4] =	dma.local [hbm:s3], $0xF7A  }
0x26: {  	[smem:$0x3F9A] =	sst s1;
	(tag) =	ssettag s2;
	_ =	strace s9  }
0x27: {  	s1 =	sld [smem:$0x3FAA]  }
0x28: {  	s2 =	sld [smem:$0x3FAB]  }
0x29: {  	s4 =	sld [smem:$0x3FAD]  }
0x2a: {  	p0 =	seq.s32 s5, $0x0;
	s5 =	sld [smem:$0x3FAE]  }
0x2b: {  	s6 =	sld [smem:$0x3FAF]  }
0x2c: {  	s7 =	sld [smem:$0x3FB0]  }
0x2d: {  	s3 =	simm.s32 $0x108;
	s8 =	sld [smem:$0x3FB1]  }
0x2e: {  	s3 =	simm.s32 @!p0 $0x1082;
	s9 =	sld [smem:$0x3FB2]  }
0x2f: {  	lr =	sadd.s32 s0, s3;
	s0 =	sld [smem:$0x3FA9]  }
0x30: {  	s3 =	sld [smem:$0x3FAC]  }
0x31: {  	[smem:$0x3FB5] =	sst s10  }
0x32: {  	s10 =	sld [smem:$0x3FB3];
	_ =	sdelay $0x3  }
0x33: {  	p0 =	seq.s32 s10, $0x1;
	s10 =	sld [smem:$0x3FB5];
	_ =	sdelay $0x3  }
0x34: {  	[smem:$0x3FB5] =	sst s10  }
0x35: {  	s10 =	sld [smem:$0x3FB4];
	_ =	sdelay $0x3  }
0x36: {  	p1 =	seq.s32 s10, $0x1;
	s10 =	sld [smem:$0x3FB5];
	_ =	sdelay $0x3  }
0x37: {  	[smem:$0x3FB5] =	sst s10  }
0x38: {  	s10 =	sld [smem:$0x3FB6]  }
0x39: {  	_ = 	snop;
	(pc) =	sbr.ind lr, $3  }
0x3a: {  	_ = 	snop  }
0x3b: {  	_ = 	snop  }
0x3c: {  	p2 =	seq.s32 s10, $0x1;
	s10 =	sld [smem:$0x3FB5]  }
0x3d: {  	_ =	shalt  }
0x3e: {  	_ =	shalt  }
0x3f: {  	_ =	shalt  }
0x40: {  	_ =	shalt  }
0x41: {  	_ =	shalt  }
0x42: {  	_ =	shalt  }
0x43: {  	_ =	shalt  }
0x44: {  	_ =	shalt  }
0x45: {  	_ =	shalt  }
0x46: {  	_ =	shalt  }
0x47: {  	_ =	shalt  }
0x48: {  	_ =	shalt  }
0x49: {  	_ =	shalt  }
0x4a: {  	_ =	shalt  }
0x4b: {  	_ =	shalt  }
0x4c: {  	_ =	shalt  }
0x4d: {  	_ =	shalt  }
0x4e: {  	_ =	shalt  }
0x4f: {  	_ =	shalt  }
0x50: {  	_ =	shalt  }
0x51: {  	_ =	shalt  }
0x52: {  	_ =	shalt  }
0x53: {  	_ =	shalt  }
0x54: {  	_ =	shalt  }
0x55: {  	_ =	shalt  }
0x56: {  	_ =	shalt  }
0x57: {  	_ =	shalt  }
0x58: {  	_ =	shalt  }
0x59: {  	_ =	shalt  }
0x5a: {  	_ =	shalt  }
0x5b: {  	_ =	shalt  }
0x5c: {  	_ =	shalt  }
0x5d: {  	_ =	shalt  }
0x5e: {  	_ =	shalt  }
0x5f: {  	_ =	shalt  }
0x60: {  	_ =	shalt  }
0x61: {  	_ =	shalt  }
0x62: {  	_ =	shalt  }
0x63: {  	_ =	shalt  }
0x64: {  	_ =	shalt  }
0x65: {  	_ =	shalt  }
0x66: {  	_ =	shalt  }
0x67: {  	_ =	shalt  }
0x68: {  	_ =	shalt  }
0x69: {  	_ =	shalt  }
0x6a: {  	_ =	shalt  }
0x6b: {  	_ =	shalt  }
0x6c: {  	_ =	shalt  }
0x6d: {  	_ =	shalt  }
0x6e: {  	_ =	shalt  }
0x6f: {  	_ =	shalt  }
0x70: {  	_ =	shalt  }
0x71: {  	_ =	shalt  }
0x72: {  	_ =	shalt  }
0x73: {  	_ =	shalt  }
0x74: {  	_ =	shalt  }
0x75: {  	_ =	shalt  }
0x76: {  	_ =	shalt  }
0x77: {  	_ =	shalt  }
0x78: {  	_ =	shalt  }
0x79: {  	_ =	shalt  }
0x7a: {  	_ =	shalt  }
0x7b: {  	_ =	shalt  }
0x7c: {  	_ =	shalt  }
0x7d: {  	_ =	shalt  }
0x7e: {  	_ =	shalt  }
0x7f: {  	_ =	shalt  }
0x80: {  	_ =	shalt  }
0x81: {  	_ =	shalt  }
0x82: {  	_ =	shalt  }
0x83: {  	_ =	shalt  }
0x84: {  	_ =	shalt  }
0x85: {  	_ =	shalt  }
0x86: {  	_ =	shalt  }
0x87: {  	_ =	shalt  }
.Lfunc_end0:
.L_simem_size_0:
called_computation_lowered:
.L_overlay_start_0:
0x88: {  	s2 =	sld [smem:$0x3FD9]  }
0x89: {  	s3 =	sld [smem:$0x3FFE];
	_ =	sdelay $0x1  }
0x8a: {  	s1 =	srdreg.scid  }
0x8b: {  	s0 =	sand.u32 $0x1, s1  }
0x8c: {  	s17 =	sshll.u32 s0, $0xA;
	s2 =	sadd.s32 s3, s2  }
0x8d: {  	s2 =	sadd.s32 s2, s17  }
0x8e: {  	[smem:$0x3FC1] =	sst s2  }
0x8f: {  	_ = 	snop  }
0x90: {  	s2 =	sld [smem:$0x3FC8];
	(tm) =	ssettm $0x1  }
0x91: {  	s18 =	sld [smem:$0x3FFB];
	_ =	sdelay $0x3  }
0x92: {  	_ =	strace s18  }
0x93: {  	s3 =	sld [smem:$0x3FFC];
	_ =	sdelay $0x3  }
0x94: {  	_ =	strace s3  }
0x95: {  	s3 =	sld [smem:$0x3FFD];
	_ =	sdelay $0x3  }
0x96: {  	_ =	strace s3  }
0x97: {  	_ =	strace $0x8FFFFFFF  }
0x98: {  	s19 =	sld [smem:$0x3FDB];
	_ =	sdelay $0x1  }
0x99: {  	s4 =	simm.s32 $_scs_section_size  }
0x9a: {  	s5 =	simm.s32 $_size__tile_overlayer_lowered;
	s6 =	simm.s32 $_tile_overlayer_lowered  }
0x9b: {  	s22 =	simm.s32 $0x1BFF;
	s21 =	sshll.u32 s6, $0x1;
	s3 =	sadd.s32 s4, s19  }
0x9c: {  	s7 =	simm.s32 $0x0;
	s20 =	sshll.u32 s5, $0x1;
	s5 =	sadd.s32 s21, s3  }
0x9d: {  	[timem:s7], [sflag:s22] =	dma.local [hbm:s5], s20  }
0x9e: {  	_ =	swait.ge [sflag:s22], s20  }
0x9f: {  	s4 =	ssub.s32 $0x0, s20;
	[sflag:s22] =	ssyncset.done $0x0  }
0xa0: {  	[sflag:s22] =	ssyncadd.s32 s4;
	_ =	sdelay $0x1  }
0xa1: {  	s23 =	simm.s32 $0x1B8B  }
0xa2: {  	_ =	swait.ge [sflag:s23], $0x1  }
0xa3: {  	[sflag:s23] =	ssyncset.done $0x0  }
0xa4: {  	s25 =	simm.s32 $0x1B8E;
	s24 =	sld [smem:$0x3FFE];
	[sflag:s23] =	ssyncadd.s32 $0xFFFFFFFF  }
0xa5: {  	s26 =	simm.s32 $execute0_lowered;
	[smem:$0x3FD2] =	sst s25  }
0xa6: {  	s5 =	sshll.u32 s26, $0x1;
	_ =	strace $0x80000046;
	[dreg:$0x1] =	wrdreg $0xFFFFFFFF  }
0xa7: {  	s28 =	simm.s32 $_size_execute0_lowered;
	s3 =	sadd.s32 s3, s5;
	[dreg:$0x0] =	wrdreg $0x0  }
0xa8: {  	s5 =	sshll.u32 s28, $0x1;
	[dreg:$0x2] =	wrdreg s3  }
0xa9: {  	[dreg:$0x3] =	wrdreg s5  }
0xaa: {  	[dreg:$0x4] =	wrdreg $0xC0  }
0xab: {  	_ =	task [dreg:s7], $0x5FFFF  }
0xac: {  	[dreg:$0x1] =	wrdreg $0xFFFFFFFF  }
0xad: {  	[dreg:$0x0] =	wrdreg $0x60  }
0xae: {  	[dreg:$0x2] =	wrdreg s2  }
0xaf: {  	[dreg:$0x3] =	wrdreg s24  }
0xb0: {  	[dreg:$0x4] =	wrdreg $0x9  }
0xb1: {  	_ =	task.clear_ibuf [dreg:s7], $0x5FFFF;
	_ =	strace $0x90000046  }
0xb2: {  	s29 =	simm.s32 $0x9;
	_ =	strace $0x80000048  }
0xb3: {  	_ =	swait.ge [sflag:s29], $0x1  }
0xb4: {  	[sflag:s29] =	ssyncadd.s32 $0xFFFFFFFF  }
0xb5: {  	_ =	strace $0x90000048  }
0xb6: {  	_ =	sfence  }
0xb7: {  	s30 =	sld [smem:$0x0];
	_ =	sdelay $0x2  }
0xb8: {  	s31 =	sshll.u32 s1, $0xD;
	s1 =	sshrl.u32 s1, $0x2  }
0xb9: {  	s3 =	sand.u32 $0x4000, s31;
	s1 =	sadd.s32 s1, s30  }
0xba: {  	s0 =	sor.u32 s3, s0;
	s1 =	sshll.u32 s1, $0x11  }
0xbb: {  	s0 =	sor.u32 s1, s0  }
0xbc: {  	s0 =	sadd.s32 $0x8F2B, s0  }
0xbd: {  	[sflag:s0] =	ssyncadd.remote.s32 $0x1  }
0xbe: {  	_ =	sfence.sel $0xFFFF  }
0xbf: {  	[dreg:$0x0] =	wrdreg $0xFFFFFFFF;
	(pc) =	sbr.abs _section_cstart, $3  }
0xc0: {  	[dreg:$0x1] =	wrdreg $0xFFFFFFFF  }
0xc1: {  	_ =	task.clear_ibuf [dreg:s7], $0x2FFFF;
	_ =	strace $0x9FFFFFFF  }
0xc2: {  	(tm) =	ssettm $0x7FFFFFFF  }
0xc3: {  	_ =	shalt  }
tec
execute0_lowered:
.L_overlay_start_1:
0x0: {  	(tag) =	ssettag $0x1  }
0x1: {  	s1 =	srdreg.scid;
	s0 =	stileid.u32  }
0x2: {  	s8 =	sand.u32 $0x1, s1;
	s5 =	sshll.u32 s0, $0x1  }
0x3: {  	s5 =	sor.u32 s8, s5  }
0x4: {  	p0 =	sgt.u32 s5, $0x18  }
.Ltmp0:
0x5: {  	_ = 	snop;
	(pc) =	sbr.rel @p0 .LBB2_19-.Ltmp0, $4  }
0x6: {  	s3 =	rddreg [dreg:$0x0]  }
0x7: {  	s4 =	rddreg [dreg:$0x1];
	s2 =	simm.s32 $0x0  }
0x8: {  	[smem:$0x7FF] =	sst s2  }
0x9: {  	s1 =	rddreg [dreg:$0x2];
	_ =	strace $0x80000047  }
0xa: {  	s6 =	sshll.u32 s5, $0x10;
	s31 =	sshll.u32 s5, $0x1  }
0xb: {  	s10 =	ssub.s32 $0x2, s8;
	s13 =	simm.s32 $0x2000;
	s14 =	simm.s32 $0x271000  }
0xc: {  	s15 =	simm.s32 $0x4000;
	s16 =	simm.s32 $0x1;
	s17 =	simm.s32 $0x2  }
0xd: {  	s18 =	simm.s32 $0x8000;
	s19 =	simm.s32 $0x3;
	s20 =	simm.s32 $0x0  }
0xe: {  	s6 =	sshrl.u32 s6, $0x3;
	s9 =	sadd.s32 s31, s4;
	s12 =	sshrl.u32 s10, $0x1  }
0xf: {  	s11 =	sadd.s32 s3, s6;
	s9 =	sadd.s32 $0x1400, s9;
	s12 =	ssub.s32 s10, s12  }
0x10: {  	s3 =	sadd.s32 $0x1CA00, s11;
	s4 =	sadd.s32 $0x1CE00, s11;
	s5 =	sadd.s32 $0x1D200, s11  }
0x11: {  	s6 =	sadd.s32 $0x1D600, s11;
	s7 =	sadd.s32 $0x1DA00, s11;
	s8 =	sadd.s32 $0x1DE00, s11  }
0x12: {  	s10 =	sadd.s32 $0x1C600, s11;
	s11 =	sadd.s32 $0x1C200, s11;
	s12 =	smax.u32 s12, $0x1  }
.LBB2_2:
0x13: {  	s22 =	simm.s32 $0x0  }
0x14: {  	[tilespmem:s22], [sflag:$0x1] =	stream.strided.gather [hbm4b:s11+s13], $0x4000, s14, s13, $0x38;
	[tilespmem:$0x8080] =	vst v63  }
0x15: {  	_ = 	snop  }
0x16: {  	[tilespmem:s15], [sflag:$0x2] =	stream.strided.gather [hbm4b:s10+s13], $0x4000, s14, s13, $0x38;
	[tilespmem:$0x8080] =	vst v63  }
0x17: {  	_ =	swait.ge [sflag:s16], $0x4000  }
0x18: {  	s21 =	sand.u32 $0x70, s22;
	s23 =	sand.u32 $0x1C00, s22;
	[sflag:s16] =	ssyncset.done $0x0  }
0x19: {  	s21 =	sor.u32 s21, s23;
	[sflag:s16] =	ssyncadd.s32 $0xFFFFC000  }
0x1a: {  	v0 =	vld [tilespmem:s21+$0x2380]  }
0x1b: {  	v1 =	vld [tilespmem:s21+$0x0]  }
0x1c: {  	v3 =	vld [tilespmem:s21+$0x80]  }
0x1d: {  	v4 =	vld [tilespmem:s21+$0x100]  }
0x1e: {  	v5 =	vld [tilespmem:s21+$0x180]  }
0x1f: {  	v6 =	vld [tilespmem:s21+$0x200]  }
0x20: {  	s22 =	sor.u32 s22, s22;
	v7 =	vld [tilespmem:s21+$0x280]  }
0x21: {  	s22 =	sor.u32 $0x380, s22;
	v9 =	vld [tilespmem:s21+$0x300]  }
0x22: {  	v10 =	vimm.f32 $0.0e+00;
	v11 =	vld [tilespmem:s22+$0x0]  }
0x23: {  	v12 =	vld [tilespmem:s21+$0x2000];
	v2 =	vadd.f32 v0, v10  }
0x24: {  	v19 =	vld [tilespmem:s21+$0x2080];
	v8 =	vadd.f32 v1, v10;
	v3 =	vadd.f32 v3, v10  }
0x25: {  	v15 =	vimm.f32 $0.0e+00;
	v17 =	vld [tilespmem:s21+$0x2100];
	v4 =	vadd.f32 v4, v10;
	v0 =	vadd.f32 v5, v10  }
0x26: {  	v13 =	vimm.f32 $0.0e+00;
	v16 =	vld [tilespmem:s21+$0x2180];
	v5 =	vadd.f32 v6, v10;
	v1 =	vadd.f32 v7, v10  }
0x27: {  	v14 =	vimm.f32 $0.0e+00;
	s23 =	simm.s32 $0x10;
	v18 =	vld [tilespmem:s21+$0x2200];
	s22 =	simm.s32 $0x80;
	v6 =	vadd.f32 v9, v10;
	v7 =	vadd.f32 v11, v10  }
0x28: {  	s24 =	simm.s32 $0x20;
	s25 =	sand.u32 $0x70, s23;
	v20 =	vld [tilespmem:s21+$0x2280];
	s26 =	sand.u32 $0x1C00, s22;
	v9 =	vadd.f32 v12, v10;
	v12 =	vimm.f32 $0.0e+00;
	v11 =	vimm.f32 $0.0e+00  }
.LBB2_3:
0x29: {  	p0 =	sne.s32 s24, $0x3F0;
	s23 =	sor.u32 s22, s23;
	v10 =	vadd.f32 v19, v10;
	v19 =	vld [tilespmem:s21+$0x2300];
	s21 =	sor.u32 s25, s26  }
0x2a: {  	s25 =	sor.u32 $0x380, s23;
	v21 =	vld [tilespmem:s21+$0x2380];
	v12 =	vadd.f32 v17, v12;
	s23 =	smov.u32 s24  }
0x2b: {  	v17 =	vld [tilespmem:s21+$0x0];
	v11 =	vadd.f32 v16, v11  }
0x2c: {  	v16 =	vld [tilespmem:s21+$0x80];
	v15 =	vadd.f32 v18, v15  }
0x2d: {  	v18 =	vld [tilespmem:s21+$0x100];
	v13 =	vadd.f32 v20, v13  }
0x2e: {  	v20 =	vld [tilespmem:s21+$0x180];
	v14 =	vadd.f32 v19, v14  }
0x2f: {  	v19 =	vld [tilespmem:s21+$0x200];
	v2 =	vadd.f32 v21, v2  }
0x30: {  	v8 =	vadd.f32 v17, v8;
	v17 =	vld [tilespmem:s21+$0x280]  }
0x31: {  	v3 =	vadd.f32 v16, v3;
	v16 =	vld [tilespmem:s21+$0x300]  }
0x32: {  	v4 =	vadd.f32 v18, v4;
	v18 =	vld [tilespmem:s25+$0x0]  }
0x33: {  	v0 =	vadd.f32 v20, v0;
	v20 =	vld [tilespmem:s21+$0x2000]  }
.Ltmp1:
0x34: {  	v5 =	vadd.f32 v19, v5;
	v19 =	vld [tilespmem:s21+$0x2080];
	(pc) =	sbr.rel @p0 .LBB2_3-.Ltmp1, $4  }
0x35: {  	v1 =	vadd.f32 v17, v1;
	v17 =	vld [tilespmem:s21+$0x2100]  }
0x36: {  	v6 =	vadd.f32 v16, v6;
	v16 =	vld [tilespmem:s21+$0x2180]  }
0x37: {  	s22 =	sadd.s32 $0x80, s22;
	v7 =	vadd.f32 v18, v7;
	v18 =	vld [tilespmem:s21+$0x2200]  }
0x38: {  	s26 =	sand.u32 $0x1C00, s22;
	s24 =	sadd.s32 $0x10, s24;
	s25 =	sand.u32 $0x70, s23;
	v9 =	vadd.f32 v20, v9;
	v20 =	vld [tilespmem:s21+$0x2280]  }
0x39: {  	s24 =	sor.u32 s25, s26;
	v21 =	vld [tilespmem:s21+$0x2300]  }
0x3a: {  	v22 =	vld [tilespmem:s24+$0x2380]  }
0x3b: {  	v23 =	vld [tilespmem:s24+$0x0]  }
0x3c: {  	v24 =	vld [tilespmem:s24+$0x80]  }
0x3d: {  	v25 =	vld [tilespmem:s24+$0x100]  }
0x3e: {  	v26 =	vld [tilespmem:s24+$0x180]  }
0x3f: {  	v27 =	vld [tilespmem:s24+$0x200]  }
0x40: {  	v28 =	vld [tilespmem:s24+$0x280]  }
0x41: {  	v29 =	vld [tilespmem:s24+$0x300]  }
0x42: {  	v31 =	vld [tilespmem:s24+$0x2000]  }
0x43: {  	v32 =	vld [tilespmem:s24+$0x2080]  }
0x44: {  	v33 =	vld [tilespmem:s24+$0x2100]  }
0x45: {  	v34 =	vld [tilespmem:s24+$0x2180]  }
0x46: {  	v35 =	vld [tilespmem:s24+$0x2200]  }
0x47: {  	s28 =	sor.u32 s22, s23;
	v36 =	vld [tilespmem:s24+$0x2280]  }
0x48: {  	s29 =	simm.s32 $0x0;
	s21 =	sor.u32 $0x380, s28;
	v37 =	vld [tilespmem:s24+$0x2300]  }
0x49: {  	v30 =	vld [tilespmem:s21+$0x0];
	[tilespmem:s29], [sflag:$0x1] =	stream.strided.gather [hbm4b:s3+s13], $0x4000, s14, s13, $0x38  }
0x4a: {  	_ =	swait.ge [sflag:s17], $0x4000  }
0x4b: {  	s30 =	sand.u32 $0x70, s29;
	s31 =	sand.u32 $0x1C00, s29;
	[sflag:s17] =	ssyncset.done $0x0  }
0x4c: {  	v10 =	vadd.f32 v19, v10;
	v12 =	vadd.f32 v17, v12;
	s21 =	sor.u32 s30, s31;
	[sflag:s17] =	ssyncadd.s32 $0xFFFFC000  }
0x4d: {  	v11 =	vadd.f32 v16, v11;
	v15 =	vadd.f32 v18, v15;
	v16 =	vld [tilespmem:s21+$0x6380]  }
0x4e: {  	v13 =	vadd.f32 v20, v13;
	v14 =	vadd.f32 v21, v14;
	v17 =	vld [tilespmem:s21+$0x4000]  }
0x4f: {  	v18 =	vadd.f32 v22, v2;
	v8 =	vadd.f32 v23, v8;
	v19 =	vld [tilespmem:s21+$0x4080]  }
0x50: {  	v20 =	vadd.f32 v24, v3;
	v21 =	vadd.f32 v25, v4;
	v22 =	vld [tilespmem:s21+$0x4100]  }
0x51: {  	v23 =	vadd.f32 v26, v0;
	v54 =	vadd.f32 v27, v5;
	v55 =	vld [tilespmem:s21+$0x4180]  }
0x52: {  	v56 =	vadd.f32 v28, v1;
	v57 =	vadd.f32 v29, v6;
	v58 =	vld [tilespmem:s21+$0x4200]  }
0x53: {  	s22 =	sor.u32 s29, s29;
	v60 =	vadd.f32 v31, v9;
	v61 =	vld [tilespmem:s21+$0x4280];
	v0 =	vadd.f32 v32, v10  }
0x54: {  	s22 =	sor.u32 $0x380, s22;
	v1 =	vadd.f32 v33, v12;
	v62 =	vld [tilespmem:s21+$0x4300];
	v2 =	vadd.f32 v34, v11  }
0x55: {  	v3 =	vadd.f32 v35, v15;
	v15 =	vld [tilespmem:s22+$0x4000];
	v4 =	vadd.f32 v36, v13  }
0x56: {  	v63 =	vld [tilespmem:s21+$0x6000];
	v59 =	vadd.f32 v30, v7;
	v5 =	vadd.f32 v37, v14  }
0x57: {  	v6 =	vadd.f32 v16, v18;
	v7 =	vadd.f32 v17, v8;
	v18 =	vld [tilespmem:s21+$0x6080]  }
0x58: {  	v8 =	vadd.f32 v19, v20;
	v9 =	vadd.f32 v22, v21;
	v17 =	vld [tilespmem:s21+$0x6100]  }
0x59: {  	v10 =	vadd.f32 v55, v23;
	v11 =	vadd.f32 v58, v54;
	v16 =	vld [tilespmem:s21+$0x6180]  }
0x5a: {  	s23 =	simm.s32 $0x10;
	s22 =	simm.s32 $0x80;
	v12 =	vadd.f32 v61, v56;
	v13 =	vadd.f32 v62, v57;
	v19 =	vld [tilespmem:s21+$0x6200]  }
0x5b: {  	s25 =	sand.u32 $0x70, s23;
	s24 =	simm.s32 $0x20;
	s26 =	sand.u32 $0x1C00, s22;
	v14 =	vadd.f32 v15, v59;
	v15 =	vadd.f32 v63, v60;
	v20 =	vld [tilespmem:s21+$0x6280]  }
.LBB2_5:
0x5c: {  	p0 =	sne.s32 s24, $0x3F0;
	s23 =	sor.u32 s22, s23;
	v0 =	vadd.f32 v18, v0;
	v18 =	vld [tilespmem:s21+$0x6300];
	s21 =	sor.u32 s25, s26  }
0x5d: {  	s25 =	sor.u32 $0x380, s23;
	v21 =	vld [tilespmem:s21+$0x6380];
	v1 =	vadd.f32 v17, v1;
	s23 =	smov.u32 s24  }
0x5e: {  	v17 =	vld [tilespmem:s21+$0x4000];
	v2 =	vadd.f32 v16, v2  }
0x5f: {  	v16 =	vld [tilespmem:s21+$0x4080];
	v3 =	vadd.f32 v19, v3  }
0x60: {  	v19 =	vld [tilespmem:s21+$0x4100];
	v4 =	vadd.f32 v20, v4  }
0x61: {  	v20 =	vld [tilespmem:s21+$0x4180];
	v5 =	vadd.f32 v18, v5  }
0x62: {  	v18 =	vld [tilespmem:s21+$0x4200];
	v6 =	vadd.f32 v21, v6  }
0x63: {  	v7 =	vadd.f32 v17, v7;
	v17 =	vld [tilespmem:s21+$0x4280]  }
0x64: {  	v8 =	vadd.f32 v16, v8;
	v16 =	vld [tilespmem:s21+$0x4300]  }
0x65: {  	v9 =	vadd.f32 v19, v9;
	v19 =	vld [tilespmem:s25+$0x4000]  }
0x66: {  	v10 =	vadd.f32 v20, v10;
	v20 =	vld [tilespmem:s21+$0x6000]  }
.Ltmp2:
0x67: {  	v11 =	vadd.f32 v18, v11;
	v18 =	vld [tilespmem:s21+$0x6080];
	(pc) =	sbr.rel @p0 .LBB2_5-.Ltmp2, $4  }
0x68: {  	v12 =	vadd.f32 v17, v12;
	v17 =	vld [tilespmem:s21+$0x6100]  }
0x69: {  	v13 =	vadd.f32 v16, v13;
	v16 =	vld [tilespmem:s21+$0x6180]  }
0x6a: {  	s22 =	sadd.s32 $0x80, s22;
	v14 =	vadd.f32 v19, v14;
	v19 =	vld [tilespmem:s21+$0x6200]  }
0x6b: {  	s26 =	sand.u32 $0x1C00, s22;
	s24 =	sadd.s32 $0x10, s24;
	s25 =	sand.u32 $0x70, s23;
	v15 =	vadd.f32 v20, v15;
	v20 =	vld [tilespmem:s21+$0x6280]  }
0x6c: {  	s24 =	sor.u32 s25, s26;
	v21 =	vld [tilespmem:s21+$0x6300]  }
0x6d: {  	v22 =	vld [tilespmem:s24+$0x6380]  }
0x6e: {  	v23 =	vld [tilespmem:s24+$0x4000]  }
0x6f: {  	v24 =	vld [tilespmem:s24+$0x4080]  }
0x70: {  	v25 =	vld [tilespmem:s24+$0x4100]  }
0x71: {  	v26 =	vld [tilespmem:s24+$0x4180]  }
0x72: {  	v27 =	vld [tilespmem:s24+$0x4200]  }
0x73: {  	v28 =	vld [tilespmem:s24+$0x4280]  }
0x74: {  	v29 =	vld [tilespmem:s24+$0x4300]  }
0x75: {  	v31 =	vld [tilespmem:s24+$0x6000]  }
0x76: {  	v32 =	vld [tilespmem:s24+$0x6080]  }
0x77: {  	v33 =	vld [tilespmem:s24+$0x6100]  }
0x78: {  	v34 =	vld [tilespmem:s24+$0x6180]  }
0x79: {  	v35 =	vld [tilespmem:s24+$0x6200]  }
0x7a: {  	s28 =	sor.u32 s22, s23;
	v36 =	vld [tilespmem:s24+$0x6280]  }
0x7b: {  	s21 =	sor.u32 $0x380, s28;
	v37 =	vld [tilespmem:s24+$0x6300]  }
0x7c: {  	v30 =	vld [tilespmem:s21+$0x4000];
	[tilespmem:s15], [sflag:$0x2] =	stream.strided.gather [hbm4b:s4+s13], $0x4000, s14, s13, $0x38  }
0x7d: {  	s29 =	simm.s32 $0x0;
	_ =	swait.ge [sflag:s16], $0x4000  }
0x7e: {  	s30 =	sand.u32 $0x70, s29;
	s31 =	sand.u32 $0x1C00, s29;
	[sflag:s16] =	ssyncset.done $0x0  }
0x7f: {  	v0 =	vadd.f32 v18, v0;
	v1 =	vadd.f32 v17, v1;
	s21 =	sor.u32 s30, s31;
	[sflag:s16] =	ssyncadd.s32 $0xFFFFC000  }
0x80: {  	v2 =	vadd.f32 v16, v2;
	v3 =	vadd.f32 v19, v3;
	v16 =	vld [tilespmem:s21+$0x2380]  }
0x81: {  	v4 =	vadd.f32 v20, v4;
	v5 =	vadd.f32 v21, v5;
	v17 =	vld [tilespmem:s21+$0x0]  }
0x82: {  	v6 =	vadd.f32 v22, v6;
	v7 =	vadd.f32 v23, v7;
	v19 =	vld [tilespmem:s21+$0x80]  }
0x83: {  	v8 =	vadd.f32 v24, v8;
	v9 =	vadd.f32 v25, v9;
	v20 =	vld [tilespmem:s21+$0x100]  }
0x84: {  	v10 =	vadd.f32 v26, v10;
	v11 =	vadd.f32 v27, v11;
	v21 =	vld [tilespmem:s21+$0x180]  }
0x85: {  	v12 =	vadd.f32 v28, v12;
	v13 =	vadd.f32 v29, v13;
	v22 =	vld [tilespmem:s21+$0x200]  }
0x86: {  	s22 =	sor.u32 s29, s29;
	v15 =	vadd.f32 v31, v15;
	v23 =	vld [tilespmem:s21+$0x280];
	v0 =	vadd.f32 v32, v0  }
0x87: {  	s22 =	sor.u32 $0x380, s22;
	v1 =	vadd.f32 v33, v1;
	v61 =	vld [tilespmem:s21+$0x300];
	v2 =	vadd.f32 v34, v2  }
0x88: {  	v3 =	vadd.f32 v35, v3;
	v62 =	vld [tilespmem:s22+$0x0];
	v4 =	vadd.f32 v36, v4  }
0x89: {  	v63 =	vld [tilespmem:s21+$0x2000];
	v14 =	vadd.f32 v30, v14;
	v5 =	vadd.f32 v37, v5  }
0x8a: {  	v18 =	vld [tilespmem:s21+$0x2080];
	v6 =	vadd.f32 v16, v6;
	v7 =	vadd.f32 v17, v7  }
0x8b: {  	v8 =	vadd.f32 v19, v8;
	v9 =	vadd.f32 v20, v9;
	v17 =	vld [tilespmem:s21+$0x2100]  }
0x8c: {  	v10 =	vadd.f32 v21, v10;
	v11 =	vadd.f32 v22, v11;
	v16 =	vld [tilespmem:s21+$0x2180]  }
0x8d: {  	s23 =	simm.s32 $0x10;
	s22 =	simm.s32 $0x80;
	v12 =	vadd.f32 v23, v12;
	v13 =	vadd.f32 v61, v13;
	v19 =	vld [tilespmem:s21+$0x2200]  }
0x8e: {  	s25 =	sand.u32 $0x70, s23;
	s24 =	simm.s32 $0x20;
	s26 =	sand.u32 $0x1C00, s22;
	v14 =	vadd.f32 v62, v14;
	v15 =	vadd.f32 v63, v15;
	v20 =	vld [tilespmem:s21+$0x2280]  }
.LBB2_7:
0x8f: {  	p0 =	sne.s32 s24, $0x3F0;
	s23 =	sor.u32 s22, s23;
	v0 =	vadd.f32 v18, v0;
	v18 =	vld [tilespmem:s21+$0x2300];
	s21 =	sor.u32 s25, s26  }
0x90: {  	s25 =	sor.u32 $0x380, s23;
	v21 =	vld [tilespmem:s21+$0x2380];
	v1 =	vadd.f32 v17, v1;
	s23 =	smov.u32 s24  }
0x91: {  	v17 =	vld [tilespmem:s21+$0x0];
	v2 =	vadd.f32 v16, v2  }
0x92: {  	v16 =	vld [tilespmem:s21+$0x80];
	v3 =	vadd.f32 v19, v3  }
0x93: {  	v19 =	vld [tilespmem:s21+$0x100];
	v4 =	vadd.f32 v20, v4  }
0x94: {  	v20 =	vld [tilespmem:s21+$0x180];
	v5 =	vadd.f32 v18, v5  }
0x95: {  	v18 =	vld [tilespmem:s21+$0x200];
	v6 =	vadd.f32 v21, v6  }
0x96: {  	v7 =	vadd.f32 v17, v7;
	v17 =	vld [tilespmem:s21+$0x280]  }
0x97: {  	v8 =	vadd.f32 v16, v8;
	v16 =	vld [tilespmem:s21+$0x300]  }
0x98: {  	v9 =	vadd.f32 v19, v9;
	v19 =	vld [tilespmem:s25+$0x0]  }
0x99: {  	v10 =	vadd.f32 v20, v10;
	v20 =	vld [tilespmem:s21+$0x2000]  }
.Ltmp3:
0x9a: {  	v11 =	vadd.f32 v18, v11;
	v18 =	vld [tilespmem:s21+$0x2080];
	(pc) =	sbr.rel @p0 .LBB2_7-.Ltmp3, $4  }
0x9b: {  	v12 =	vadd.f32 v17, v12;
	v17 =	vld [tilespmem:s21+$0x2100]  }
0x9c: {  	v13 =	vadd.f32 v16, v13;
	v16 =	vld [tilespmem:s21+$0x2180]  }
0x9d: {  	s22 =	sadd.s32 $0x80, s22;
	v14 =	vadd.f32 v19, v14;
	v19 =	vld [tilespmem:s21+$0x2200]  }
0x9e: {  	s26 =	sand.u32 $0x1C00, s22;
	s24 =	sadd.s32 $0x10, s24;
	s25 =	sand.u32 $0x70, s23;
	v15 =	vadd.f32 v20, v15;
	v20 =	vld [tilespmem:s21+$0x2280]  }
0x9f: {  	s24 =	sor.u32 s25, s26;
	v21 =	vld [tilespmem:s21+$0x2300]  }
0xa0: {  	v22 =	vld [tilespmem:s24+$0x2380]  }
0xa1: {  	v23 =	vld [tilespmem:s24+$0x0]  }
0xa2: {  	v24 =	vld [tilespmem:s24+$0x80]  }
0xa3: {  	v25 =	vld [tilespmem:s24+$0x100]  }
0xa4: {  	v26 =	vld [tilespmem:s24+$0x180]  }
0xa5: {  	v27 =	vld [tilespmem:s24+$0x200]  }
0xa6: {  	v28 =	vld [tilespmem:s24+$0x280]  }
0xa7: {  	v29 =	vld [tilespmem:s24+$0x300]  }
0xa8: {  	v31 =	vld [tilespmem:s24+$0x2000]  }
0xa9: {  	v32 =	vld [tilespmem:s24+$0x2080]  }
0xaa: {  	v33 =	vld [tilespmem:s24+$0x2100]  }
0xab: {  	v34 =	vld [tilespmem:s24+$0x2180]  }
0xac: {  	v35 =	vld [tilespmem:s24+$0x2200]  }
0xad: {  	s28 =	sor.u32 s22, s23;
	v36 =	vld [tilespmem:s24+$0x2280]  }
0xae: {  	s29 =	simm.s32 $0x0;
	s21 =	sor.u32 $0x380, s28;
	v37 =	vld [tilespmem:s24+$0x2300]  }
0xaf: {  	v30 =	vld [tilespmem:s21+$0x0];
	[tilespmem:s29], [sflag:$0x1] =	stream.strided.gather [hbm4b:s5+s13], $0x4000, s14, s13, $0x38  }
0xb0: {  	_ =	swait.ge [sflag:s17], $0x4000  }
0xb1: {  	s30 =	sand.u32 $0x70, s29;
	s31 =	sand.u32 $0x1C00, s29;
	[sflag:s17] =	ssyncset.done $0x0  }
0xb2: {  	v0 =	vadd.f32 v18, v0;
	v1 =	vadd.f32 v17, v1;
	s21 =	sor.u32 s30, s31;
	[sflag:s17] =	ssyncadd.s32 $0xFFFFC000  }
0xb3: {  	v2 =	vadd.f32 v16, v2;
	v3 =	vadd.f32 v19, v3;
	v16 =	vld [tilespmem:s21+$0x6380]  }
0xb4: {  	v4 =	vadd.f32 v20, v4;
	v5 =	vadd.f32 v21, v5;
	v17 =	vld [tilespmem:s21+$0x4000]  }
0xb5: {  	v6 =	vadd.f32 v22, v6;
	v7 =	vadd.f32 v23, v7;
	v19 =	vld [tilespmem:s21+$0x4080]  }
0xb6: {  	v8 =	vadd.f32 v24, v8;
	v9 =	vadd.f32 v25, v9;
	v20 =	vld [tilespmem:s21+$0x4100]  }
0xb7: {  	v10 =	vadd.f32 v26, v10;
	v11 =	vadd.f32 v27, v11;
	v21 =	vld [tilespmem:s21+$0x4180]  }
0xb8: {  	v12 =	vadd.f32 v28, v12;
	v13 =	vadd.f32 v29, v13;
	v22 =	vld [tilespmem:s21+$0x4200]  }
0xb9: {  	s22 =	sor.u32 s29, s29;
	v15 =	vadd.f32 v31, v15;
	v23 =	vld [tilespmem:s21+$0x4280];
	v0 =	vadd.f32 v32, v0  }
0xba: {  	s22 =	sor.u32 $0x380, s22;
	v1 =	vadd.f32 v33, v1;
	v61 =	vld [tilespmem:s21+$0x4300];
	v2 =	vadd.f32 v34, v2  }
0xbb: {  	v3 =	vadd.f32 v35, v3;
	v62 =	vld [tilespmem:s22+$0x4000];
	v4 =	vadd.f32 v36, v4  }
0xbc: {  	v63 =	vld [tilespmem:s21+$0x6000];
	v14 =	vadd.f32 v30, v14;
	v5 =	vadd.f32 v37, v5  }
0xbd: {  	v18 =	vld [tilespmem:s21+$0x6080];
	v6 =	vadd.f32 v16, v6;
	v7 =	vadd.f32 v17, v7  }
0xbe: {  	v8 =	vadd.f32 v19, v8;
	v9 =	vadd.f32 v20, v9;
	v17 =	vld [tilespmem:s21+$0x6100]  }
0xbf: {  	v10 =	vadd.f32 v21, v10;
	v11 =	vadd.f32 v22, v11;
	v16 =	vld [tilespmem:s21+$0x6180]  }
0xc0: {  	s23 =	simm.s32 $0x10;
	s22 =	simm.s32 $0x80;
	v12 =	vadd.f32 v23, v12;
	v13 =	vadd.f32 v61, v13;
	v19 =	vld [tilespmem:s21+$0x6200]  }
0xc1: {  	s25 =	sand.u32 $0x70, s23;
	s24 =	simm.s32 $0x20;
	s26 =	sand.u32 $0x1C00, s22;
	v14 =	vadd.f32 v62, v14;
	v15 =	vadd.f32 v63, v15;
	v20 =	vld [tilespmem:s21+$0x6280]  }
.LBB2_9:
0xc2: {  	p0 =	sne.s32 s24, $0x3F0;
	s23 =	sor.u32 s22, s23;
	v0 =	vadd.f32 v18, v0;
	v18 =	vld [tilespmem:s21+$0x6300];
	s21 =	sor.u32 s25, s26  }
0xc3: {  	s25 =	sor.u32 $0x380, s23;
	v21 =	vld [tilespmem:s21+$0x6380];
	v1 =	vadd.f32 v17, v1;
	s23 =	smov.u32 s24  }
0xc4: {  	v17 =	vld [tilespmem:s21+$0x4000];
	v2 =	vadd.f32 v16, v2  }
0xc5: {  	v16 =	vld [tilespmem:s21+$0x4080];
	v3 =	vadd.f32 v19, v3  }
0xc6: {  	v19 =	vld [tilespmem:s21+$0x4100];
	v4 =	vadd.f32 v20, v4  }
0xc7: {  	v20 =	vld [tilespmem:s21+$0x4180];
	v5 =	vadd.f32 v18, v5  }
0xc8: {  	v18 =	vld [tilespmem:s21+$0x4200];
	v6 =	vadd.f32 v21, v6  }
0xc9: {  	v7 =	vadd.f32 v17, v7;
	v17 =	vld [tilespmem:s21+$0x4280]  }
0xca: {  	v8 =	vadd.f32 v16, v8;
	v16 =	vld [tilespmem:s21+$0x4300]  }
0xcb: {  	v9 =	vadd.f32 v19, v9;
	v19 =	vld [tilespmem:s25+$0x4000]  }
0xcc: {  	v10 =	vadd.f32 v20, v10;
	v20 =	vld [tilespmem:s21+$0x6000]  }
.Ltmp4:
0xcd: {  	v11 =	vadd.f32 v18, v11;
	v18 =	vld [tilespmem:s21+$0x6080];
	(pc) =	sbr.rel @p0 .LBB2_9-.Ltmp4, $4  }
0xce: {  	v12 =	vadd.f32 v17, v12;
	v17 =	vld [tilespmem:s21+$0x6100]  }
0xcf: {  	v13 =	vadd.f32 v16, v13;
	v16 =	vld [tilespmem:s21+$0x6180]  }
0xd0: {  	s22 =	sadd.s32 $0x80, s22;
	v14 =	vadd.f32 v19, v14;
	v19 =	vld [tilespmem:s21+$0x6200]  }
0xd1: {  	s26 =	sand.u32 $0x1C00, s22;
	s24 =	sadd.s32 $0x10, s24;
	s25 =	sand.u32 $0x70, s23;
	v15 =	vadd.f32 v20, v15;
	v20 =	vld [tilespmem:s21+$0x6280]  }
0xd2: {  	s24 =	sor.u32 s25, s26;
	v21 =	vld [tilespmem:s21+$0x6300]  }
0xd3: {  	v22 =	vld [tilespmem:s24+$0x6380]  }
0xd4: {  	v23 =	vld [tilespmem:s24+$0x4000]  }
0xd5: {  	v24 =	vld [tilespmem:s24+$0x4080]  }
0xd6: {  	v25 =	vld [tilespmem:s24+$0x4100]  }
0xd7: {  	v26 =	vld [tilespmem:s24+$0x4180]  }
0xd8: {  	v27 =	vld [tilespmem:s24+$0x4200]  }
0xd9: {  	v28 =	vld [tilespmem:s24+$0x4280]  }
0xda: {  	v29 =	vld [tilespmem:s24+$0x4300]  }
0xdb: {  	v31 =	vld [tilespmem:s24+$0x6000]  }
0xdc: {  	v32 =	vld [tilespmem:s24+$0x6080]  }
0xdd: {  	v33 =	vld [tilespmem:s24+$0x6100]  }
0xde: {  	v34 =	vld [tilespmem:s24+$0x6180]  }
0xdf: {  	v35 =	vld [tilespmem:s24+$0x6200]  }
0xe0: {  	s28 =	sor.u32 s22, s23;
	v36 =	vld [tilespmem:s24+$0x6280]  }
0xe1: {  	s21 =	sor.u32 $0x380, s28;
	v37 =	vld [tilespmem:s24+$0x6300]  }
0xe2: {  	v30 =	vld [tilespmem:s21+$0x4000];
	[tilespmem:s15], [sflag:$0x2] =	stream.strided.gather [hbm4b:s6+s13], $0x4000, s14, s13, $0x38  }
0xe3: {  	s29 =	simm.s32 $0x0;
	_ =	swait.ge [sflag:s16], $0x4000  }
0xe4: {  	s30 =	sand.u32 $0x70, s29;
	s31 =	sand.u32 $0x1C00, s29;
	[sflag:s16] =	ssyncset.done $0x0  }
0xe5: {  	v0 =	vadd.f32 v18, v0;
	v1 =	vadd.f32 v17, v1;
	s21 =	sor.u32 s30, s31;
	[sflag:s16] =	ssyncadd.s32 $0xFFFFC000  }
0xe6: {  	v2 =	vadd.f32 v16, v2;
	v3 =	vadd.f32 v19, v3;
	v16 =	vld [tilespmem:s21+$0x2380]  }
0xe7: {  	v4 =	vadd.f32 v20, v4;
	v5 =	vadd.f32 v21, v5;
	v17 =	vld [tilespmem:s21+$0x0]  }
0xe8: {  	v6 =	vadd.f32 v22, v6;
	v7 =	vadd.f32 v23, v7;
	v19 =	vld [tilespmem:s21+$0x80]  }
0xe9: {  	v8 =	vadd.f32 v24, v8;
	v9 =	vadd.f32 v25, v9;
	v20 =	vld [tilespmem:s21+$0x100]  }
0xea: {  	v10 =	vadd.f32 v26, v10;
	v11 =	vadd.f32 v27, v11;
	v21 =	vld [tilespmem:s21+$0x180]  }
0xeb: {  	v12 =	vadd.f32 v28, v12;
	v13 =	vadd.f32 v29, v13;
	v22 =	vld [tilespmem:s21+$0x200]  }
0xec: {  	s22 =	sor.u32 s29, s29;
	v15 =	vadd.f32 v31, v15;
	v23 =	vld [tilespmem:s21+$0x280];
	v0 =	vadd.f32 v32, v0  }
0xed: {  	s22 =	sor.u32 $0x380, s22;
	v1 =	vadd.f32 v33, v1;
	v61 =	vld [tilespmem:s21+$0x300];
	v2 =	vadd.f32 v34, v2  }
0xee: {  	v3 =	vadd.f32 v35, v3;
	v62 =	vld [tilespmem:s22+$0x0];
	v4 =	vadd.f32 v36, v4  }
0xef: {  	v63 =	vld [tilespmem:s21+$0x2000];
	v14 =	vadd.f32 v30, v14;
	v5 =	vadd.f32 v37, v5  }
0xf0: {  	v18 =	vld [tilespmem:s21+$0x2080];
	v6 =	vadd.f32 v16, v6;
	v7 =	vadd.f32 v17, v7  }
0xf1: {  	v8 =	vadd.f32 v19, v8;
	v9 =	vadd.f32 v20, v9;
	v17 =	vld [tilespmem:s21+$0x2100]  }
0xf2: {  	v10 =	vadd.f32 v21, v10;
	v11 =	vadd.f32 v22, v11;
	v16 =	vld [tilespmem:s21+$0x2180]  }
0xf3: {  	s23 =	simm.s32 $0x10;
	s22 =	simm.s32 $0x80;
	v12 =	vadd.f32 v23, v12;
	v13 =	vadd.f32 v61, v13;
	v19 =	vld [tilespmem:s21+$0x2200]  }
0xf4: {  	s25 =	sand.u32 $0x70, s23;
	s24 =	simm.s32 $0x20;
	s26 =	sand.u32 $0x1C00, s22;
	v14 =	vadd.f32 v62, v14;
	v15 =	vadd.f32 v63, v15;
	v20 =	vld [tilespmem:s21+$0x2280]  }
.LBB2_11:
0xf5: {  	p0 =	sne.s32 s24, $0x3F0;
	s23 =	sor.u32 s22, s23;
	v0 =	vadd.f32 v18, v0;
	v18 =	vld [tilespmem:s21+$0x2300];
	s21 =	sor.u32 s25, s26  }
0xf6: {  	s25 =	sor.u32 $0x380, s23;
	v21 =	vld [tilespmem:s21+$0x2380];
	v1 =	vadd.f32 v17, v1;
	s23 =	smov.u32 s24  }
0xf7: {  	v17 =	vld [tilespmem:s21+$0x0];
	v2 =	vadd.f32 v16, v2  }
0xf8: {  	v16 =	vld [tilespmem:s21+$0x80];
	v3 =	vadd.f32 v19, v3  }
0xf9: {  	v19 =	vld [tilespmem:s21+$0x100];
	v4 =	vadd.f32 v20, v4  }
0xfa: {  	v20 =	vld [tilespmem:s21+$0x180];
	v5 =	vadd.f32 v18, v5  }
0xfb: {  	v18 =	vld [tilespmem:s21+$0x200];
	v6 =	vadd.f32 v21, v6  }
0xfc: {  	v7 =	vadd.f32 v17, v7;
	v17 =	vld [tilespmem:s21+$0x280]  }
0xfd: {  	v8 =	vadd.f32 v16, v8;
	v16 =	vld [tilespmem:s21+$0x300]  }
0xfe: {  	v9 =	vadd.f32 v19, v9;
	v19 =	vld [tilespmem:s25+$0x0]  }
0xff: {  	v10 =	vadd.f32 v20, v10;
	v20 =	vld [tilespmem:s21+$0x2000]  }
.Ltmp5:
0x100: {  	v11 =	vadd.f32 v18, v11;
	v18 =	vld [tilespmem:s21+$0x2080];
	(pc) =	sbr.rel @p0 .LBB2_11-.Ltmp5, $4  }
0x101: {  	v12 =	vadd.f32 v17, v12;
	v17 =	vld [tilespmem:s21+$0x2100]  }
0x102: {  	v13 =	vadd.f32 v16, v13;
	v16 =	vld [tilespmem:s21+$0x2180]  }
0x103: {  	s22 =	sadd.s32 $0x80, s22;
	v14 =	vadd.f32 v19, v14;
	v19 =	vld [tilespmem:s21+$0x2200]  }
0x104: {  	s26 =	sand.u32 $0x1C00, s22;
	s24 =	sadd.s32 $0x10, s24;
	s25 =	sand.u32 $0x70, s23;
	v15 =	vadd.f32 v20, v15;
	v20 =	vld [tilespmem:s21+$0x2280]  }
0x105: {  	s24 =	sor.u32 s25, s26;
	v21 =	vld [tilespmem:s21+$0x2300]  }
0x106: {  	v22 =	vld [tilespmem:s24+$0x2380]  }
0x107: {  	v23 =	vld [tilespmem:s24+$0x0]  }
0x108: {  	v24 =	vld [tilespmem:s24+$0x80]  }
0x109: {  	v25 =	vld [tilespmem:s24+$0x100]  }
0x10a: {  	v26 =	vld [tilespmem:s24+$0x180]  }
0x10b: {  	v27 =	vld [tilespmem:s24+$0x200]  }
0x10c: {  	v28 =	vld [tilespmem:s24+$0x280]  }
0x10d: {  	v29 =	vld [tilespmem:s24+$0x300]  }
0x10e: {  	v31 =	vld [tilespmem:s24+$0x2000]  }
0x10f: {  	v32 =	vld [tilespmem:s24+$0x2080]  }
0x110: {  	v33 =	vld [tilespmem:s24+$0x2100]  }
0x111: {  	v34 =	vld [tilespmem:s24+$0x2180]  }
0x112: {  	v35 =	vld [tilespmem:s24+$0x2200]  }
0x113: {  	s28 =	sor.u32 s22, s23;
	v36 =	vld [tilespmem:s24+$0x2280]  }
0x114: {  	s29 =	simm.s32 $0x0;
	s21 =	sor.u32 $0x380, s28;
	v37 =	vld [tilespmem:s24+$0x2300]  }
0x115: {  	v30 =	vld [tilespmem:s21+$0x0];
	[tilespmem:s29], [sflag:$0x1] =	stream.strided.gather [hbm4b:s7+s13], $0x4000, s14, s13, $0x38  }
0x116: {  	_ =	swait.ge [sflag:s17], $0x4000  }
0x117: {  	s30 =	sand.u32 $0x70, s29;
	s31 =	sand.u32 $0x1C00, s29;
	[sflag:s17] =	ssyncset.done $0x0  }
0x118: {  	v0 =	vadd.f32 v18, v0;
	v1 =	vadd.f32 v17, v1;
	s21 =	sor.u32 s30, s31;
	[sflag:s17] =	ssyncadd.s32 $0xFFFFC000  }
0x119: {  	v2 =	vadd.f32 v16, v2;
	v3 =	vadd.f32 v19, v3;
	v16 =	vld [tilespmem:s21+$0x6380]  }
0x11a: {  	v4 =	vadd.f32 v20, v4;
	v5 =	vadd.f32 v21, v5;
	v17 =	vld [tilespmem:s21+$0x4000]  }
0x11b: {  	v6 =	vadd.f32 v22, v6;
	v7 =	vadd.f32 v23, v7;
	v19 =	vld [tilespmem:s21+$0x4080]  }
0x11c: {  	v8 =	vadd.f32 v24, v8;
	v9 =	vadd.f32 v25, v9;
	v20 =	vld [tilespmem:s21+$0x4100]  }
0x11d: {  	v10 =	vadd.f32 v26, v10;
	v11 =	vadd.f32 v27, v11;
	v21 =	vld [tilespmem:s21+$0x4180]  }
0x11e: {  	v12 =	vadd.f32 v28, v12;
	v13 =	vadd.f32 v29, v13;
	v22 =	vld [tilespmem:s21+$0x4200]  }
0x11f: {  	s22 =	sor.u32 s29, s29;
	v15 =	vadd.f32 v31, v15;
	v23 =	vld [tilespmem:s21+$0x4280];
	v0 =	vadd.f32 v32, v0  }
0x120: {  	s22 =	sor.u32 $0x380, s22;
	v1 =	vadd.f32 v33, v1;
	v61 =	vld [tilespmem:s21+$0x4300];
	v2 =	vadd.f32 v34, v2  }
0x121: {  	v3 =	vadd.f32 v35, v3;
	v62 =	vld [tilespmem:s22+$0x4000];
	v4 =	vadd.f32 v36, v4  }
0x122: {  	v63 =	vld [tilespmem:s21+$0x6000];
	v14 =	vadd.f32 v30, v14;
	v5 =	vadd.f32 v37, v5  }
0x123: {  	v18 =	vld [tilespmem:s21+$0x6080];
	v6 =	vadd.f32 v16, v6;
	v7 =	vadd.f32 v17, v7  }
0x124: {  	v8 =	vadd.f32 v19, v8;
	v9 =	vadd.f32 v20, v9;
	v17 =	vld [tilespmem:s21+$0x6100]  }
0x125: {  	v10 =	vadd.f32 v21, v10;
	v11 =	vadd.f32 v22, v11;
	v16 =	vld [tilespmem:s21+$0x6180]  }
0x126: {  	s23 =	simm.s32 $0x10;
	s22 =	simm.s32 $0x80;
	v12 =	vadd.f32 v23, v12;
	v13 =	vadd.f32 v61, v13;
	v19 =	vld [tilespmem:s21+$0x6200]  }
0x127: {  	s25 =	sand.u32 $0x70, s23;
	s24 =	simm.s32 $0x20;
	s26 =	sand.u32 $0x1C00, s22;
	v14 =	vadd.f32 v62, v14;
	v15 =	vadd.f32 v63, v15;
	v20 =	vld [tilespmem:s21+$0x6280]  }
.LBB2_13:
0x128: {  	p0 =	sne.s32 s24, $0x3F0;
	s23 =	sor.u32 s22, s23;
	v0 =	vadd.f32 v18, v0;
	v18 =	vld [tilespmem:s21+$0x6300];
	s21 =	sor.u32 s25, s26  }
0x129: {  	s25 =	sor.u32 $0x380, s23;
	v21 =	vld [tilespmem:s21+$0x6380];
	v1 =	vadd.f32 v17, v1;
	s23 =	smov.u32 s24  }
0x12a: {  	v17 =	vld [tilespmem:s21+$0x4000];
	v2 =	vadd.f32 v16, v2  }
0x12b: {  	v16 =	vld [tilespmem:s21+$0x4080];
	v3 =	vadd.f32 v19, v3  }
0x12c: {  	v19 =	vld [tilespmem:s21+$0x4100];
	v4 =	vadd.f32 v20, v4  }
0x12d: {  	v20 =	vld [tilespmem:s21+$0x4180];
	v5 =	vadd.f32 v18, v5  }
0x12e: {  	v18 =	vld [tilespmem:s21+$0x4200];
	v6 =	vadd.f32 v21, v6  }
0x12f: {  	v7 =	vadd.f32 v17, v7;
	v17 =	vld [tilespmem:s21+$0x4280]  }
0x130: {  	v8 =	vadd.f32 v16, v8;
	v16 =	vld [tilespmem:s21+$0x4300]  }
0x131: {  	v9 =	vadd.f32 v19, v9;
	v19 =	vld [tilespmem:s25+$0x4000]  }
0x132: {  	v10 =	vadd.f32 v20, v10;
	v20 =	vld [tilespmem:s21+$0x6000]  }
.Ltmp6:
0x133: {  	v11 =	vadd.f32 v18, v11;
	v18 =	vld [tilespmem:s21+$0x6080];
	(pc) =	sbr.rel @p0 .LBB2_13-.Ltmp6, $4  }
0x134: {  	v12 =	vadd.f32 v17, v12;
	v17 =	vld [tilespmem:s21+$0x6100]  }
0x135: {  	v13 =	vadd.f32 v16, v13;
	v16 =	vld [tilespmem:s21+$0x6180]  }
0x136: {  	s22 =	sadd.s32 $0x80, s22;
	v14 =	vadd.f32 v19, v14;
	v19 =	vld [tilespmem:s21+$0x6200]  }
0x137: {  	s26 =	sand.u32 $0x1C00, s22;
	s24 =	sadd.s32 $0x10, s24;
	s25 =	sand.u32 $0x70, s23;
	v15 =	vadd.f32 v20, v15;
	v20 =	vld [tilespmem:s21+$0x6280]  }
0x138: {  	s24 =	sor.u32 s25, s26;
	v21 =	vld [tilespmem:s21+$0x6300]  }
0x139: {  	v22 =	vld [tilespmem:s24+$0x6380]  }
0x13a: {  	v23 =	vld [tilespmem:s24+$0x4000]  }
0x13b: {  	v24 =	vld [tilespmem:s24+$0x4080]  }
0x13c: {  	v25 =	vld [tilespmem:s24+$0x4100]  }
0x13d: {  	v26 =	vld [tilespmem:s24+$0x4180]  }
0x13e: {  	v27 =	vld [tilespmem:s24+$0x4200]  }
0x13f: {  	v28 =	vld [tilespmem:s24+$0x4280]  }
0x140: {  	v29 =	vld [tilespmem:s24+$0x4300]  }
0x141: {  	v31 =	vld [tilespmem:s24+$0x6000]  }
0x142: {  	v32 =	vld [tilespmem:s24+$0x6080]  }
0x143: {  	v33 =	vld [tilespmem:s24+$0x6100]  }
0x144: {  	v34 =	vld [tilespmem:s24+$0x6180]  }
0x145: {  	v35 =	vld [tilespmem:s24+$0x6200]  }
0x146: {  	s28 =	sor.u32 s22, s23;
	v36 =	vld [tilespmem:s24+$0x6280]  }
0x147: {  	s21 =	sor.u32 $0x380, s28;
	v37 =	vld [tilespmem:s24+$0x6300]  }
0x148: {  	v30 =	vld [tilespmem:s21+$0x4000];
	[tilespmem:s15], [sflag:$0x2] =	stream.strided.gather [hbm4b:s8+s13], $0x4000, s14, s13, $0x38  }
0x149: {  	s29 =	simm.s32 $0x0;
	_ =	swait.ge [sflag:s16], $0x4000  }
0x14a: {  	s30 =	sand.u32 $0x70, s29;
	s31 =	sand.u32 $0x1C00, s29;
	[sflag:s16] =	ssyncset.done $0x0  }
0x14b: {  	v0 =	vadd.f32 v18, v0;
	v1 =	vadd.f32 v17, v1;
	s21 =	sor.u32 s30, s31;
	[sflag:s16] =	ssyncadd.s32 $0xFFFFC000  }
0x14c: {  	v2 =	vadd.f32 v16, v2;
	v3 =	vadd.f32 v19, v3;
	v16 =	vld [tilespmem:s21+$0x2380]  }
0x14d: {  	v4 =	vadd.f32 v20, v4;
	v5 =	vadd.f32 v21, v5;
	v17 =	vld [tilespmem:s21+$0x0]  }
0x14e: {  	v6 =	vadd.f32 v22, v6;
	v7 =	vadd.f32 v23, v7;
	v19 =	vld [tilespmem:s21+$0x80]  }
0x14f: {  	v8 =	vadd.f32 v24, v8;
	v9 =	vadd.f32 v25, v9;
	v20 =	vld [tilespmem:s21+$0x100]  }
0x150: {  	v10 =	vadd.f32 v26, v10;
	v11 =	vadd.f32 v27, v11;
	v21 =	vld [tilespmem:s21+$0x180]  }
0x151: {  	v12 =	vadd.f32 v28, v12;
	v13 =	vadd.f32 v29, v13;
	v22 =	vld [tilespmem:s21+$0x200]  }
0x152: {  	s22 =	sor.u32 s29, s29;
	v15 =	vadd.f32 v31, v15;
	v23 =	vld [tilespmem:s21+$0x280];
	v0 =	vadd.f32 v32, v0  }
0x153: {  	s22 =	sor.u32 $0x380, s22;
	v1 =	vadd.f32 v33, v1;
	v61 =	vld [tilespmem:s21+$0x300];
	v2 =	vadd.f32 v34, v2  }
0x154: {  	v3 =	vadd.f32 v35, v3;
	v62 =	vld [tilespmem:s22+$0x0];
	v4 =	vadd.f32 v36, v4  }
0x155: {  	v63 =	vld [tilespmem:s21+$0x2000];
	v14 =	vadd.f32 v30, v14;
	v5 =	vadd.f32 v37, v5  }
0x156: {  	v18 =	vld [tilespmem:s21+$0x2080];
	v6 =	vadd.f32 v16, v6;
	v7 =	vadd.f32 v17, v7  }
0x157: {  	v8 =	vadd.f32 v19, v8;
	v9 =	vadd.f32 v20, v9;
	v17 =	vld [tilespmem:s21+$0x2100]  }
0x158: {  	v10 =	vadd.f32 v21, v10;
	v11 =	vadd.f32 v22, v11;
	v16 =	vld [tilespmem:s21+$0x2180]  }
0x159: {  	s23 =	simm.s32 $0x10;
	s22 =	simm.s32 $0x80;
	v12 =	vadd.f32 v23, v12;
	v13 =	vadd.f32 v61, v13;
	v19 =	vld [tilespmem:s21+$0x2200]  }
0x15a: {  	s25 =	sand.u32 $0x70, s23;
	s24 =	simm.s32 $0x20;
	s26 =	sand.u32 $0x1C00, s22;
	v14 =	vadd.f32 v62, v14;
	v15 =	vadd.f32 v63, v15;
	v20 =	vld [tilespmem:s21+$0x2280]  }
.LBB2_15:
0x15b: {  	p0 =	sne.s32 s24, $0x3F0;
	s23 =	sor.u32 s22, s23;
	v0 =	vadd.f32 v18, v0;
	v18 =	vld [tilespmem:s21+$0x2300];
	s21 =	sor.u32 s25, s26  }
0x15c: {  	s25 =	sor.u32 $0x380, s23;
	v21 =	vld [tilespmem:s21+$0x2380];
	v1 =	vadd.f32 v17, v1;
	s23 =	smov.u32 s24  }
0x15d: {  	v17 =	vld [tilespmem:s21+$0x0];
	v2 =	vadd.f32 v16, v2  }
0x15e: {  	v16 =	vld [tilespmem:s21+$0x80];
	v3 =	vadd.f32 v19, v3  }
0x15f: {  	v19 =	vld [tilespmem:s21+$0x100];
	v4 =	vadd.f32 v20, v4  }
0x160: {  	v20 =	vld [tilespmem:s21+$0x180];
	v5 =	vadd.f32 v18, v5  }
0x161: {  	v18 =	vld [tilespmem:s21+$0x200];
	v6 =	vadd.f32 v21, v6  }
0x162: {  	v7 =	vadd.f32 v17, v7;
	v17 =	vld [tilespmem:s21+$0x280]  }
0x163: {  	v8 =	vadd.f32 v16, v8;
	v16 =	vld [tilespmem:s21+$0x300]  }
0x164: {  	v9 =	vadd.f32 v19, v9;
	v19 =	vld [tilespmem:s25+$0x0]  }
0x165: {  	v10 =	vadd.f32 v20, v10;
	v20 =	vld [tilespmem:s21+$0x2000]  }
.Ltmp7:
0x166: {  	v11 =	vadd.f32 v18, v11;
	v18 =	vld [tilespmem:s21+$0x2080];
	(pc) =	sbr.rel @p0 .LBB2_15-.Ltmp7, $4  }
0x167: {  	v12 =	vadd.f32 v17, v12;
	v17 =	vld [tilespmem:s21+$0x2100]  }
0x168: {  	v13 =	vadd.f32 v16, v13;
	v16 =	vld [tilespmem:s21+$0x2180]  }
0x169: {  	s22 =	sadd.s32 $0x80, s22;
	v14 =	vadd.f32 v19, v14;
	v19 =	vld [tilespmem:s21+$0x2200]  }
0x16a: {  	s26 =	sand.u32 $0x1C00, s22;
	s24 =	sadd.s32 $0x10, s24;
	s25 =	sand.u32 $0x70, s23;
	v15 =	vadd.f32 v20, v15;
	v20 =	vld [tilespmem:s21+$0x2280]  }
0x16b: {  	s24 =	sor.u32 s25, s26;
	v21 =	vld [tilespmem:s21+$0x2300]  }
0x16c: {  	v22 =	vld [tilespmem:s24+$0x2380]  }
0x16d: {  	v23 =	vld [tilespmem:s24+$0x0]  }
0x16e: {  	v24 =	vld [tilespmem:s24+$0x80]  }
0x16f: {  	v25 =	vld [tilespmem:s24+$0x100]  }
0x170: {  	v26 =	vld [tilespmem:s24+$0x180]  }
0x171: {  	v27 =	vld [tilespmem:s24+$0x200]  }
0x172: {  	v28 =	vld [tilespmem:s24+$0x280]  }
0x173: {  	v29 =	vld [tilespmem:s24+$0x300]  }
0x174: {  	v31 =	vld [tilespmem:s24+$0x2000]  }
0x175: {  	v32 =	vld [tilespmem:s24+$0x2080]  }
0x176: {  	v33 =	vld [tilespmem:s24+$0x2100]  }
0x177: {  	v34 =	vld [tilespmem:s24+$0x2180]  }
0x178: {  	v35 =	vld [tilespmem:s24+$0x2200]  }
0x179: {  	s28 =	sor.u32 s22, s23;
	v36 =	vld [tilespmem:s24+$0x2280]  }
0x17a: {  	s21 =	sor.u32 $0x380, s28;
	v37 =	vld [tilespmem:s24+$0x2300]  }
0x17b: {  	s29 =	simm.s32 $0x0;
	v30 =	vld [tilespmem:s21+$0x0];
	_ =	swait.ge [sflag:s17], $0x4000  }
0x17c: {  	s30 =	sand.u32 $0x70, s29;
	s31 =	sand.u32 $0x1C00, s29;
	[sflag:s17] =	ssyncset.done $0x0  }
0x17d: {  	v0 =	vadd.f32 v18, v0;
	v1 =	vadd.f32 v17, v1;
	s21 =	sor.u32 s30, s31;
	[sflag:s17] =	ssyncadd.s32 $0xFFFFC000  }
0x17e: {  	v2 =	vadd.f32 v16, v2;
	v3 =	vadd.f32 v19, v3;
	v16 =	vld [tilespmem:s21+$0x6380]  }
0x17f: {  	v17 =	vadd.f32 v20, v4;
	v18 =	vadd.f32 v21, v5;
	v19 =	vld [tilespmem:s21+$0x4000]  }
0x180: {  	v21 =	vld [tilespmem:s21+$0x4080];
	v20 =	vadd.f32 v22, v6;
	v7 =	vadd.f32 v23, v7  }
0x181: {  	s22 =	sor.u32 s29, s29;
	v57 =	vld [tilespmem:s21+$0x4200];
	v8 =	vadd.f32 v24, v8;
	v9 =	vadd.f32 v25, v9  }
0x182: {  	s22 =	sor.u32 $0x380, s22;
	v60 =	vld [tilespmem:s21+$0x4280];
	v10 =	vadd.f32 v26, v10;
	v11 =	vadd.f32 v27, v11  }
0x183: {  	v62 =	vld [tilespmem:s22+$0x4000];
	v55 =	vadd.f32 v28, v12;
	v56 =	vadd.f32 v29, v13  }
0x184: {  	v63 =	vld [tilespmem:s21+$0x6000];
	v59 =	vadd.f32 v31, v15;
	v6 =	vadd.f32 v32, v0  }
0x185: {  	v22 =	vld [tilespmem:s21+$0x4100];
	v5 =	vadd.f32 v33, v1;
	v4 =	vadd.f32 v34, v2  }
0x186: {  	v23 =	vld [tilespmem:s21+$0x4180];
	v3 =	vadd.f32 v35, v3;
	v2 =	vadd.f32 v36, v17  }
0x187: {  	v61 =	vld [tilespmem:s21+$0x4300];
	v58 =	vadd.f32 v30, v14;
	v1 =	vadd.f32 v37, v18  }
0x188: {  	v0 =	vadd.f32 v16, v20;
	v15 =	vadd.f32 v19, v7;
	v19 =	vld [tilespmem:s21+$0x6080]  }
0x189: {  	v18 =	vld [tilespmem:s21+$0x6100];
	v14 =	vadd.f32 v21, v8;
	v11 =	vadd.f32 v57, v11  }
0x18a: {  	v17 =	vld [tilespmem:s21+$0x6180];
	v7 =	vadd.f32 v62, v58;
	v8 =	vadd.f32 v63, v59  }
0x18b: {  	s23 =	simm.s32 $0x10;
	s22 =	simm.s32 $0x80;
	v16 =	vld [tilespmem:s21+$0x6200];
	v13 =	vadd.f32 v22, v9;
	v12 =	vadd.f32 v23, v10  }
0x18c: {  	s25 =	sand.u32 $0x70, s23;
	s24 =	simm.s32 $0x20;
	s26 =	sand.u32 $0x1C00, s22;
	v20 =	vld [tilespmem:s21+$0x6280];
	v10 =	vadd.f32 v60, v55;
	v9 =	vadd.f32 v61, v56  }
.LBB2_17:
0x18d: {  	p0 =	sne.s32 s24, $0x3F0;
	s23 =	sor.u32 s22, s23;
	v6 =	vadd.f32 v19, v6;
	v19 =	vld [tilespmem:s21+$0x6300];
	s21 =	sor.u32 s25, s26  }
0x18e: {  	s25 =	sor.u32 $0x380, s23;
	v21 =	vld [tilespmem:s21+$0x6380];
	v5 =	vadd.f32 v18, v5;
	s23 =	smov.u32 s24  }
0x18f: {  	v18 =	vld [tilespmem:s21+$0x4000];
	v4 =	vadd.f32 v17, v4  }
0x190: {  	v17 =	vld [tilespmem:s21+$0x4080];
	v3 =	vadd.f32 v16, v3  }
0x191: {  	v16 =	vld [tilespmem:s21+$0x4100];
	v2 =	vadd.f32 v20, v2  }
0x192: {  	v20 =	vld [tilespmem:s21+$0x4180];
	v1 =	vadd.f32 v19, v1  }
0x193: {  	v19 =	vld [tilespmem:s21+$0x4200];
	v0 =	vadd.f32 v21, v0  }
0x194: {  	v15 =	vadd.f32 v18, v15;
	v18 =	vld [tilespmem:s21+$0x4280]  }
0x195: {  	v14 =	vadd.f32 v17, v14;
	v17 =	vld [tilespmem:s21+$0x4300]  }
0x196: {  	v13 =	vadd.f32 v16, v13;
	v16 =	vld [tilespmem:s25+$0x4000]  }
0x197: {  	v12 =	vadd.f32 v20, v12;
	v20 =	vld [tilespmem:s21+$0x6000]  }
.Ltmp8:
0x198: {  	v11 =	vadd.f32 v19, v11;
	v19 =	vld [tilespmem:s21+$0x6080];
	(pc) =	sbr.rel @p0 .LBB2_17-.Ltmp8, $4  }
0x199: {  	v10 =	vadd.f32 v18, v10;
	v18 =	vld [tilespmem:s21+$0x6100]  }
0x19a: {  	v9 =	vadd.f32 v17, v9;
	v17 =	vld [tilespmem:s21+$0x6180]  }
0x19b: {  	s22 =	sadd.s32 $0x80, s22;
	v7 =	vadd.f32 v16, v7;
	v16 =	vld [tilespmem:s21+$0x6200]  }
0x19c: {  	s26 =	sand.u32 $0x1C00, s22;
	s24 =	sadd.s32 $0x10, s24;
	s25 =	sand.u32 $0x70, s23;
	v8 =	vadd.f32 v20, v8;
	v20 =	vld [tilespmem:s21+$0x6280]  }
0x19d: {  	s24 =	sor.u32 s25, s26;
	v21 =	vld [tilespmem:s21+$0x6300]  }
0x19e: {  	v22 =	vld [tilespmem:s24+$0x4000]  }
0x19f: {  	v23 =	vld [tilespmem:s24+$0x4080]  }
0x1a0: {  	v24 =	vld [tilespmem:s24+$0x4100]  }
0x1a1: {  	v25 =	vld [tilespmem:s24+$0x4180]  }
0x1a2: {  	v26 =	vld [tilespmem:s24+$0x4200]  }
0x1a3: {  	s31 =	sor.u32 s22, s23;
	v62 =	vld [tilespmem:s24+$0x4280];
	v15 =	vadd.f32 v22, v15  }
0x1a4: {  	s21 =	sor.u32 $0x380, s31;
	v63 =	vld [tilespmem:s24+$0x4300];
	v14 =	vadd.f32 v23, v14  }
0x1a5: {  	v13 =	vadd.f32 v24, v13;
	v24 =	vld [tilespmem:s21+$0x4000];
	(xrf2) =	vadd.scan.msk.f32 $0xffff, v15  }
0x1a6: {  	v27 =	vld [tilespmem:s24+$0x6000];
	v12 =	vadd.f32 v25, v12;
	(xrf2) =	vadd.scan.msk.f32 $0xffff, v14  }
0x1a7: {  	v28 =	vld [tilespmem:s24+$0x6080];
	v11 =	vadd.f32 v26, v11;
	(xrf2) =	vadd.scan.msk.f32 $0xffff, v13  }
0x1a8: {  	v29 =	vld [tilespmem:s24+$0x6100];
	v10 =	vadd.f32 v62, v10;
	(xrf2) =	vadd.scan.msk.f32 $0xffff, v12  }
0x1a9: {  	v30 =	vld [tilespmem:s24+$0x6180];
	v9 =	vadd.f32 v63, v9;
	(xrf2) =	vadd.scan.msk.f32 $0xffff, v11  }
0x1aa: {  	v6 =	vadd.f32 v19, v6;
	v31 =	vld [tilespmem:s24+$0x6200];
	v7 =	vadd.f32 v24, v7;
	(xrf2) =	vadd.scan.msk.f32 $0xffff, v10  }
0x1ab: {  	v5 =	vadd.f32 v18, v5;
	v32 =	vld [tilespmem:s24+$0x6280];
	v8 =	vadd.f32 v27, v8;
	(xrf2) =	vadd.scan.msk.f32 $0xffff, v9  }
0x1ac: {  	v33 =	vld [tilespmem:s24+$0x6300];
	v4 =	vadd.f32 v17, v4;
	v6 =	vadd.f32 v28, v6;
	(xrf2) =	vadd.scan.msk.f32 $0xffff, v7  }
0x1ad: {  	v3 =	vadd.f32 v16, v3;
	v5 =	vadd.f32 v29, v5;
	(xrf2) =	vadd.scan.msk.f32 $0xffff, v8  }
0x1ae: {  	v2 =	vadd.f32 v20, v2;
	v4 =	vadd.f32 v30, v4;
	(xrf2) =	vadd.scan.msk.f32 $0xffff, v6  }
0x1af: {  	v34 =	vld [tilespmem:s24+$0x6380];
	v1 =	vadd.f32 v21, v1;
	v3 =	vadd.f32 v31, v3;
	v35, _, _ =	vpop (xrf2);
	(xrf2) =	vadd.scan.msk.f32 $0xffff, v5  }
0x1b0: {  	v2 =	vadd.f32 v32, v2;
	v36, _, _ =	vpop (xrf2);
	(xrf2) =	vadd.scan.msk.f32 $0xffff, v4  }
0x1b1: {  	v1 =	vadd.f32 v33, v1;
	v37 =	vbroadcast v35, $0xF;
	v5 =	vbroadcast v36, $0xF;
	v38, _, _ =	vpop (xrf2);
	(xrf2) =	vadd.scan.msk.f32 $0xffff, v3  }
0x1b2: {  	vm0 =	vmmov $0x1;
	vm14 =	vmmov $0x3;
	v39 =	vbroadcast v38, $0xF;
	v40, _, _ =	vpop (xrf2);
	(xrf2) =	vadd.scan.msk.f32 $0xffff, v2  }
0x1b3: {  	vm15 =	vmmov $0x7;
	v41 =	vsel vm0, v37, v5;
	v42 =	vbroadcast v40, $0xF;
	v43, _, _ =	vpop (xrf2);
	(xrf2) =	vadd.scan.msk.f32 $0xffff, v1  }
0x1b4: {  	v0 =	vadd.f32 v34, v0;
	v44, _, _ =	vpop (xrf2);
	v2 =	vsel vm14, v41, v39;
	v45 =	vbroadcast v43, $0xF  }
0x1b5: {  	vm4 =	vmmov $0xf;
	v46, _, _ =	vpop (xrf2);
	v2 =	vsel vm15, v2, v42;
	v1 =	vbroadcast v44, $0xF  }
0x1b6: {  	vm5 =	vmmov $0x1f;
	(xrf2) =	vadd.scan.msk.f32 $0xffff, v0;
	v2 =	vsel vm4, v2, v45;
	v47 =	vbroadcast v46, $0xF;
	v48, _, _ =	vpop (xrf2)  }
0x1b7: {  	vm6 =	vmmov $0x3f;
	v49, _, _ =	vpop (xrf2);
	v1 =	vsel vm5, v2, v1;
	v50 =	vbroadcast v48, $0xF  }
0x1b8: {  	vm7 =	vmmov $0x7f;
	v51, _, _ =	vpop (xrf2);
	v1 =	vsel vm6, v1, v47;
	v0 =	vbroadcast v49, $0xF  }
0x1b9: {  	vm8 =	vmmov $0xff;
	v52, _, _ =	vpop (xrf2);
	v1 =	vsel vm7, v1, v50;
	v53 =	vbroadcast v51, $0xF  }
0x1ba: {  	vm9 =	vmmov $0x1ff;
	v54, _, _ =	vpop (xrf2);
	v0 =	vsel vm8, v1, v0;
	v55 =	vbroadcast v52, $0xF  }
0x1bb: {  	vm10 =	vmmov $0x3ff;
	v56, _, _ =	vpop (xrf2);
	v0 =	vsel vm9, v0, v53;
	v57 =	vbroadcast v54, $0xF  }
0x1bc: {  	vm11 =	vmmov $0x7ff;
	v58, _, _ =	vpop (xrf2);
	v0 =	vsel vm10, v0, v55;
	v59 =	vbroadcast v56, $0xF  }
0x1bd: {  	vm12 =	vmmov $0xfff;
	v60, _, _ =	vpop (xrf2);
	v0 =	vsel vm11, v0, v57;
	v61 =	vbroadcast v58, $0xF  }
0x1be: {  	vm13 =	vmmov $0x1fff;
	v0 =	vsel vm12, v0, v59;
	v62 =	vbroadcast v60, $0xF  }
0x1bf: {  	vm14 =	vmmov $0x3fff;
	v0 =	vsel vm13, v0, v61  }
0x1c0: {  	s20 =	sadd.s32 $0x1, s20;
	vm15 =	vmmov $0x7fff;
	v63, _, _ =	vpop (xrf2);
	v0 =	vsel vm14, v0, v62  }
0x1c1: {  	p0 =	sne.s32 s20, s12;
	v0 =	vsel vm15, v0, v63  }
.Ltmp9:
0x1c2: {  	[tilespmem:$0x8000] =	vst v0;
	(pc) =	sbr.rel @p0 .LBB2_2-.Ltmp9, $4  }
0x1c3: {  	[hbm4b:s9+s2] =	stream.linear.scatter [tilespmem:s18], [sflag:$0x3], $0x10, $0x38;
	[tilespmem:$0x8080] =	vst v63  }
0x1c4: {  	_ =	swait.ge [sflag:s19], $0x10  }
0x1c5: {  	[sflag:s19] =	ssyncset.done $0x0  }
0x1c6: {  	[sflag:s19] =	ssyncadd.s32 $0xFFFFFFF0  }
.LBB2_19:
0x1c7: {  	_ =	sfence.sel $0x180000  }
0x1c8: {  	[bflag:$0x0] =	sbarrier.arrive $0xFFFF  }
0x1c9: {  	p0 =	sne.s32 s0, $0x0;
	_ =	strace $0x90000047  }
0x1ca: {  	s0 =	sadd.s32 @!p0 $0x100000, s1;
	[bflag:$0x2] =	sbarrier.arrive $0xFFFF  }
0x1cb: {  	[sflag:s0] =	ssyncadd.tile.s32 @!p0 $0x1;
	_ =	shalt  }
.Lfunc_end2:
_tile_overlayer_lowered:
.L_overlay_start_2:
0x1cc: {  	(tag) =	ssettag $0x2  }
0x1cd: {  	s0 =	rddreg [dreg:$0x0];
	s2 =	stileid.u32  }
0x1ce: {  	s1 =	rddreg [dreg:$0x1];
	p0 =	sne.s32 s2, $0x0  }
0x1cf: {  	s3 =	rddreg [dreg:$0x2];
	[bflag:$0x3] =	sbarrier.arrive $0xFFFF;
	s2 =	simm.s32 @!p0 $0x1C03  }
0x1d0: {  	[timem:s3], [sflag:s2] =	dma.local @!p0 [hbm:s0], s1  }
0x1d1: {  	s0 =	simm.s32 @!p0 $0x3  }
0x1d2: {  	_ =	swait.ge @!p0 [sflag:s0], s1  }
0x1d3: {  	s1 =	ssub.s32 @!p0 $0x0, s1;
	[sflag:s0] =	ssyncset.done @!p0 $0x0  }
0x1d4: {  	[sflag:s0] =	ssyncadd.s32 @!p0 s1  }
0x1d5: {  	[bflag:$0x3] =	sbarrier.arrive $0xFFFF  }
0x1d6: {  	_ =	shalt  }

</sc_bundles>
